<compile_context>
chip_gen: v7x
topology: tpu7x:2x2x1
jax: 0.10.2.dev20260603
libtpu: 0.0.44.dev20260713+nightly
codegen_flags: <defaults>
</compile_context>

<pallas_src>
import functools

import jax
import jax.numpy as jnp
from jax import lax
from jax.experimental import pallas as pl
from jax.experimental.pallas import tpu as pltpu
from jax.experimental.pallas import tpu_sc as plsc

MIN_NORM = 1e-7
BALL_EPS = 1e-5

NC = 2
NS = 16
NW = NC * NS

CHUNK = 125
NBUF = 2
IDX_BLOCK = 40
CNT_PIECE = 640


def _transform_body(x_ref, w_ref, b_ref, h_ref):
    w = w_ref[...]
    b = b_ref[...]
    wn = jnp.maximum(jnp.sqrt(jnp.sum(w * w, axis=-1, keepdims=True)), MIN_NORM)
    w_h = jnp.tanh(wn) * w / wn
    bn = jnp.maximum(jnp.sqrt(jnp.sum(b * b, axis=-1, keepdims=True)), MIN_NORM)
    b_h = jnp.tanh(bn) * b / bn
    x = x_ref[...]
    xn = jnp.maximum(jnp.sqrt(jnp.sum(x * x, axis=-1, keepdims=True)), MIN_NORM)
    mx = jnp.dot(x, w_h, preferred_element_type=jnp.float32)
    mxn = jnp.maximum(jnp.sqrt(jnp.sum(mx * mx, axis=-1, keepdims=True)), MIN_NORM)
    xc = jnp.clip(xn, -1.0 + 1e-7, 1.0 - 1e-7)
    art = 0.5 * jnp.log((1.0 + xc) / (1.0 - xc))
    res = jnp.tanh(mxn / xn * art) * mx / mxn
    nz = jnp.max(jnp.abs(mx), axis=-1, keepdims=True) > 0.0
    h = jnp.where(nz, res, 0.0)
    x2 = jnp.sum(h * h, axis=-1, keepdims=True)
    y2 = jnp.sum(b_h * b_h, axis=-1, keepdims=True)
    xy = jnp.sum(h * b_h, axis=-1, keepdims=True)
    num = (1.0 + 2.0 * xy + y2) * h + (1.0 - x2) * b_h
    den = 1.0 + 2.0 * xy + x2 * y2
    h_ref[...] = num / jnp.maximum(den, 1e-15)


def _combine_body(sums_ref, cnts_ref, out_ref):
    s = sums_ref[0] + sums_ref[1]
    c = cnts_ref[0] + cnts_ref[1]
    agg = s / jnp.maximum(c, 1.0)[:, None]
    norm = jnp.maximum(jnp.sqrt(jnp.sum(agg * agg, axis=-1, keepdims=True)), MIN_NORM)
    maxnorm = 1.0 - BALL_EPS
    out_ref[...] = jnp.where(norm > maxnorm, agg / norm * maxnorm, agg)


def _make_sc_agg(n_nodes, n_edges, d):
    edges_per_w = n_edges // NW
    n_chunks = edges_per_w // CHUNK
    rows_per_tile = (n_nodes // NS) // 8 * 8
    rem_row0 = NS * rows_per_tile
    rem_rows = n_nodes - rem_row0
    mesh = plsc.VectorSubcoreMesh(core_axis_name="c", subcore_axis_name="s")

    @functools.partial(
        pl.kernel,
        out_type=[
            jax.ShapeDtypeStruct((NC, n_nodes, d), jnp.float32),
            jax.ShapeDtypeStruct((NC * NS * CNT_PIECE,), jnp.float32),
        ],
        mesh=mesh,
        scratch_types=[
            pltpu.VMEM((IDX_BLOCK, CHUNK), jnp.int32),
            pltpu.VMEM((IDX_BLOCK, CHUNK), jnp.int32),
            pltpu.VMEM((NBUF, CHUNK, d), jnp.float32),
            pltpu.VMEM((128,), jnp.float32),
            pltpu.VMEM((CNT_PIECE,), jnp.float32),
            pltpu.VMEM_SHARED((n_nodes, d), jnp.float32),
            pltpu.VMEM_SHARED((NS * CNT_PIECE,), jnp.float32),
            pltpu.SemaphoreType.DMA,
            pltpu.SemaphoreType.DMA,
            pltpu.SemaphoreType.DMA,
            pltpu.SemaphoreType.DMA,
        ],
    )
    def sc_agg(h_hbm, ei_hbm, sums_hbm, cnts_hbm,
               src_v, dst_v, rows_v, ones_v, cnt_v, acc_sh, cnt_sh,
               sem0, sem1, sem2, sem3):
        sems = (sem0, sem1, sem2, sem3)
        c = lax.axis_index("c")
        s = lax.axis_index("s")
        wid = s * NC + c

        for j in range(128 // 16):
            ones_v[pl.ds(j * 16, 16)] = jnp.ones((16,), jnp.float32)

        z16 = jnp.zeros((16,), jnp.float32)
        zr = (CHUNK // 8) * 8

        def zrow(r, carry):
            for j in range(d // 16):
                rows_v[0, r, pl.ds(j * 16, 16)] = z16
            return carry

        lax.fori_loop(0, zr, zrow, 0)

        def zcnt(k, carry):
            cnt_v[pl.ds(k * 16, 16)] = z16
            return carry

        lax.fori_loop(0, CNT_PIECE // 16, zcnt, 0)

        row0 = s * rows_per_tile
        for k in range(rows_per_tile // zr):
            pltpu.sync_copy(rows_v.at[0, pl.ds(0, zr)],
                            acc_sh.at[pl.ds(row0 + k * zr, zr)])
        tail = rows_per_tile % zr
        if tail:
            pltpu.sync_copy(rows_v.at[0, pl.ds(0, tail)],
                            acc_sh.at[pl.ds(row0 + rows_per_tile - tail, tail)])

        @pl.when(s == NS - 1)
        def _():
            pltpu.sync_copy(rows_v.at[0, pl.ds(0, rem_rows)],
                            acc_sh.at[pl.ds(rem_row0, rem_rows)])

        pltpu.sync_copy(cnt_v, cnt_sh.at[pl.ds(s * CNT_PIECE, CNT_PIECE)])

        plsc.subcore_barrier()

        for blk in range(n_chunks // IDX_BLOCK):
            pltpu.sync_copy(ei_hbm.at[0, wid, pl.ds(blk * IDX_BLOCK, IDX_BLOCK)], src_v)
            pltpu.sync_copy(ei_hbm.at[1, wid, pl.ds(blk * IDX_BLOCK, IDX_BLOCK)], dst_v)

            for b in range(NBUF):
                pltpu.async_copy(h_hbm.at[src_v.at[b]], rows_v.at[b], sems[b])

            def body(g, carry):
                for b in range(NBUF):
                    i = NBUF * g + b
                    pltpu.make_async_copy(h_hbm.at[src_v.at[i]], rows_v.at[b],
                                          sems[b]).wait()
                    pltpu.sync_copy(rows_v.at[b], acc_sh.at[dst_v.at[i]], add=True)
                    pltpu.sync_copy(ones_v.at[pl.ds(0, CHUNK)],
                                    cnt_sh.at[dst_v.at[i]], add=True)

                    @pl.when(i + NBUF < IDX_BLOCK)
                    def _():
                        pltpu.async_copy(h_hbm.at[src_v.at[i + NBUF]],
                                         rows_v.at[b], sems[b])
                return carry

            lax.fori_loop(0, IDX_BLOCK // NBUF, body, 0)

        plsc.subcore_barrier()

        pltpu.sync_copy(acc_sh.at[pl.ds(row0, rows_per_tile)],
                        sums_hbm.at[c, pl.ds(row0, rows_per_tile)])

        @pl.when(s == NS - 1)
        def _():
            pltpu.sync_copy(acc_sh.at[pl.ds(rem_row0, rem_rows)],
                            sums_hbm.at[c, pl.ds(rem_row0, rem_rows)])

        pltpu.sync_copy(cnt_sh.at[pl.ds(s * CNT_PIECE, CNT_PIECE)], cnt_v)
        pltpu.sync_copy(
            cnt_v,
            cnts_hbm.at[pl.ds((c * NS + s) * CNT_PIECE, CNT_PIECE)])

    return sc_agg


def kernel(x, edge_index, weight, bias):
    n_nodes, d_in = x.shape
    d_out = weight.shape[1]
    n_edges = edge_index.shape[1]

    h = pl.pallas_call(
        _transform_body,
        out_shape=jax.ShapeDtypeStruct((n_nodes, d_out), jnp.float32),
    )(x, weight, bias.reshape(1, d_out))

    edges_per_w = n_edges // NW
    n_chunks = edges_per_w // CHUNK
    ei4 = edge_index.reshape(2, NW, n_chunks, CHUNK)
    sums, cnts = _make_sc_agg(n_nodes, n_edges, d_out)(h, ei4)

    out = pl.pallas_call(
        _combine_body,
        out_shape=jax.ShapeDtypeStruct((n_nodes, d_out), jnp.float32),
    )(sums, cnts.reshape(NC, NS * CNT_PIECE)[:, :n_nodes])
    return out

# --- scband reference (transcript-rebuilt; emitter-appended) ---
"""Pipeline reference for scband-hyperbolic-graph-conv-2508260901395 (READ-ONLY COPY).

The authoritative reference and input builder live on the scoring server;
editing this copy changes nothing except your own understanding.
"""

import jax, jax.numpy as jnp
import numpy as np

N_NODES = 10000
N_EDGES = 320000
D_IN = 128
D_OUT = 128
C = 1.0
SQRT_C = 1.0
MIN_NORM = 1e-7
BALL_EPS = 1e-5


def _artanh(x):
    x = jnp.clip(x, -1.0 + 1e-7, 1.0 - 1e-7)
    return jnp.arctanh(x)


def project(x):
    norm = jnp.clip(jnp.linalg.norm(x, axis=-1, keepdims=True), MIN_NORM)
    maxnorm = (1.0 - BALL_EPS) / SQRT_C
    cond = norm > maxnorm
    projected = x / norm * maxnorm
    return jnp.where(cond, projected, x)


def expmap0(u):
    u_norm = jnp.clip(jnp.linalg.norm(u, axis=-1, keepdims=True), MIN_NORM)
    gamma = jnp.tanh(SQRT_C * u_norm) * u / (SQRT_C * u_norm)
    return gamma


def mobius_matvec(m, x):
    # x: [N, d_in], m: [d_in, d_out]
    x_norm = jnp.clip(jnp.linalg.norm(x, axis=-1, keepdims=True), MIN_NORM)
    mx = x @ m
    mx_norm = jnp.clip(jnp.linalg.norm(mx, axis=-1, keepdims=True), MIN_NORM)
    res = jnp.tanh(mx_norm / x_norm * _artanh(SQRT_C * x_norm)) * mx / (mx_norm * SQRT_C)
    cond = jnp.all(mx == 0.0, axis=-1, keepdims=True)
    return jnp.where(cond, jnp.zeros_like(res), res)


def mobius_add(x, y):
    x2 = jnp.sum(x * x, axis=-1, keepdims=True)
    y2 = jnp.sum(y * y, axis=-1, keepdims=True)
    xy = jnp.sum(x * y, axis=-1, keepdims=True)
    num = (1.0 + 2.0 * C * xy + C * y2) * x + (1.0 - C * x2) * y
    den = 1.0 + 2.0 * C * xy + C * C * x2 * y2
    return num / jnp.clip(den, 1e-15)


def setup_inputs(seed: int = 0) -> dict:
    key = jax.random.key(seed)
    k1, k2, k3, k4 = jax.random.split(key, 4)
    x = jax.random.normal(k1, (N_NODES, D_IN), dtype=jnp.float32) * 0.05
    x = project(x)
    edge_index = jax.random.randint(k2, (2, N_EDGES), 0, N_NODES, dtype=jnp.int32)
    bound = 1.0 / (D_IN ** 0.5)
    weight = jax.random.uniform(k3, (D_IN, D_OUT), minval=-bound, maxval=bound, dtype=jnp.float32)
    bias = jax.random.uniform(k4, (D_OUT,), minval=-bound, maxval=bound, dtype=jnp.float32)
    return {"x": x, "edge_index": edge_index, "weight": weight, "bias": bias}


def reference(x, edge_index, weight, bias):
    # hyperbolic_transform
    w_h = expmap0(weight)
    h = mobius_matvec(w_h, x)
    b_h = expmap0(bias)
    h = mobius_add(h, b_h)
    # message passing with mean aggregation (source_to_target)
    src = edge_index[0]
    dst = edge_index[1]
    msgs = jnp.take(h, src, axis=0)
    summed = jax.ops.segment_sum(msgs, dst, num_segments=N_NODES)
    counts = jax.ops.segment_sum(jnp.ones((msgs.shape[0],), dtype=jnp.float32), dst, num_segments=N_NODES)
    agg = summed / jnp.clip(counts, 1.0)[:, None]
    # manifold.normalize -> project back into the ball
    return project(agg)

if __name__ == "__main__":
    import jax
    _d = setup_inputs()
    print(jax.jit(kernel)(*tuple(_d.values())))

</pallas_src>

<mosaic_0001>
#map = affine_map<(d0, d1) -> (0, 0)>
#map1 = affine_map<(d0, d1) -> (0, 0, 0, 0)>
#map2 = affine_map<(d0, d1) -> (0, 0, 0)>
#map3 = affine_map<(d0, d1) -> (0)>
module attributes {stable_mosaic.version = 14 : i64} {
  func.func @sc_agg(%arg0: i32, %arg1: i32, %arg2: memref<10000x128xf32, #tpu.memory_space<hbm>>, %arg3: memref<2x32x80x125xi32, #tpu.memory_space<hbm>>, %arg4: memref<2x10000x128xf32, #tpu.memory_space<hbm>>, %arg5: memref<20480xf32, #tpu.memory_space<hbm>>, %arg6: memref<40x125xi32, #tpu.memory_space<vmem>>, %arg7: memref<40x125xi32, #tpu.memory_space<vmem>>, %arg8: memref<2x125x128xf32, #tpu.memory_space<vmem>>, %arg9: memref<128xf32, #tpu.memory_space<vmem>>, %arg10: memref<640xf32, #tpu.memory_space<vmem>>, %arg11: memref<10000x128xf32, #tpu.memory_space<vmem_shared>>, %arg12: memref<10240xf32, #tpu.memory_space<vmem_shared>>, %arg13: memref<!tpu.dma_semaphore, #tpu.memory_space<semaphore_mem>>, %arg14: memref<!tpu.dma_semaphore, #tpu.memory_space<semaphore_mem>>, %arg15: memref<!tpu.dma_semaphore, #tpu.memory_space<semaphore_mem>>, %arg16: memref<!tpu.dma_semaphore, #tpu.memory_space<semaphore_mem>>) attributes {dimension_semantics = [#tpu.dimension_semantics<core_parallel>, #tpu.dimension_semantics<subcore_parallel>], iteration_bounds = array<i64: 2, 16>, scalar_prefetch = 0 : i64, scratch_operands = 11 : i64, tpu.core_type = #tpu.core_type<sc_vector_subcore>, window_params = [{transform_indices = #map}, {transform_indices = #map1}, {transform_indices = #map2}, {transform_indices = #map3}]} {
    %mul3A = arith.constant 2 : i32
    %mul3A_0 = arith.muli %arg1, %mul3A : i32
    %add3A = arith.addi %mul3A_0, %arg0 : i32
    %broadcast_in_dim3A = arith.constant 1.000000e+00 : f32
    %broadcast_in_dim3A_1 = vector.broadcast %broadcast_in_dim3A : f32 to vector<16xf32>
    %swap3A = arith.constant 0 : index
    %swap3A_2 = tpu.vector_load %arg9[%swap3A] {strides = array<i32>} : memref<128xf32, #tpu.memory_space<vmem>>, vector<16xf32>,
    %swap3A_3 = vector.shape_cast %swap3A_2 : vector<16xf32> to vector<16xf32>
    %swap3A_4 = vector.shape_cast %broadcast_in_dim3A_1 : vector<16xf32> to vector<16xf32>
    tpu.vector_store %arg9[%swap3A], %swap3A_4 {strides = array<i32>} : memref<128xf32, #tpu.memory_space<vmem>>, vector<16xf32>,
    %broadcast_in_dim3A_5 = arith.constant 1.000000e+00 : f32
    %broadcast_in_dim3A_6 = vector.broadcast %broadcast_in_dim3A_5 : f32 to vector<16xf32>
    %swap3A_7 = arith.constant 16 : index
    %swap3A_8 = tpu.vector_load %arg9[%swap3A_7] {strides = array<i32>} : memref<128xf32, #tpu.memory_space<vmem>>, vector<16xf32>,
    %swap3A_9 = vector.shape_cast %swap3A_8 : vector<16xf32> to vector<16xf32>
    %swap3A_10 = vector.shape_cast %broadcast_in_dim3A_6 : vector<16xf32> to vector<16xf32>
    tpu.vector_store %arg9[%swap3A_7], %swap3A_10 {strides = array<i32>} : memref<128xf32, #tpu.memory_space<vmem>>, vector<16xf32>,
    %broadcast_in_dim3A_11 = arith.constant 1.000000e+00 : f32
    %broadcast_in_dim3A_12 = vector.broadcast %broadcast_in_dim3A_11 : f32 to vector<16xf32>
    %swap3A_13 = arith.constant 32 : index
    %swap3A_14 = tpu.vector_load %arg9[%swap3A_13] {strides = array<i32>} : memref<128xf32, #tpu.memory_space<vmem>>, vector<16xf32>,
    %swap3A_15 = vector.shape_cast %swap3A_14 : vector<16xf32> to vector<16xf32>
    %swap3A_16 = vector.shape_cast %broadcast_in_dim3A_12 : vector<16xf32> to vector<16xf32>
    tpu.vector_store %arg9[%swap3A_13], %swap3A_16 {strides = array<i32>} : memref<128xf32, #tpu.memory_space<vmem>>, vector<16xf32>,
    %broadcast_in_dim3A_17 = arith.constant 1.000000e+00 : f32
    %broadcast_in_dim3A_18 = vector.broadcast %broadcast_in_dim3A_17 : f32 to vector<16xf32>
    %swap3A_19 = arith.constant 48 : index
    %swap3A_20 = tpu.vector_load %arg9[%swap3A_19] {strides = array<i32>} : memref<128xf32, #tpu.memory_space<vmem>>, vector<16xf32>,
    %swap3A_21 = vector.shape_cast %swap3A_20 : vector<16xf32> to vector<16xf32>
    %swap3A_22 = vector.shape_cast %broadcast_in_dim3A_18 : vector<16xf32> to vector<16xf32>
    tpu.vector_store %arg9[%swap3A_19], %swap3A_22 {strides = array<i32>} : memref<128xf32, #tpu.memory_space<vmem>>, vector<16xf32>,
    %broadcast_in_dim3A_23 = arith.constant 1.000000e+00 : f32
    %broadcast_in_dim3A_24 = vector.broadcast %broadcast_in_dim3A_23 : f32 to vector<16xf32>
    %swap3A_25 = arith.constant 64 : index
    %swap3A_26 = tpu.vector_load %arg9[%swap3A_25] {strides = array<i32>} : memref<128xf32, #tpu.memory_space<vmem>>, vector<16xf32>,
    %swap3A_27 = vector.shape_cast %swap3A_26 : vector<16xf32> to vector<16xf32>
    %swap3A_28 = vector.shape_cast %broadcast_in_dim3A_24 : vector<16xf32> to vector<16xf32>
    tpu.vector_store %arg9[%swap3A_25], %swap3A_28 {strides = array<i32>} : memref<128xf32, #tpu.memory_space<vmem>>, vector<16xf32>,
    %broadcast_in_dim3A_29 = arith.constant 1.000000e+00 : f32
    %broadcast_in_dim3A_30 = vector.broadcast %broadcast_in_dim3A_29 : f32 to vector<16xf32>
    %swap3A_31 = arith.constant 80 : index
    %swap3A_32 = tpu.vector_load %arg9[%swap3A_31] {strides = array<i32>} : memref<128xf32, #tpu.memory_space<vmem>>, vector<16xf32>,
    %swap3A_33 = vector.shape_cast %swap3A_32 : vector<16xf32> to vector<16xf32>
    %swap3A_34 = vector.shape_cast %broadcast_in_dim3A_30 : vector<16xf32> to vector<16xf32>
    tpu.vector_store %arg9[%swap3A_31], %swap3A_34 {strides = array<i32>} : memref<128xf32, #tpu.memory_space<vmem>>, vector<16xf32>,
    %broadcast_in_dim3A_35 = arith.constant 1.000000e+00 : f32
    %broadcast_in_dim3A_36 = vector.broadcast %broadcast_in_dim3A_35 : f32 to vector<16xf32>
    %swap3A_37 = arith.constant 96 : index
    %swap3A_38 = tpu.vector_load %arg9[%swap3A_37] {strides = array<i32>} : memref<128xf32, #tpu.memory_space<vmem>>, vector<16xf32>,
    %swap3A_39 = vector.shape_cast %swap3A_38 : vector<16xf32> to vector<16xf32>
    %swap3A_40 = vector.shape_cast %broadcast_in_dim3A_36 : vector<16xf32> to vector<16xf32>
    tpu.vector_store %arg9[%swap3A_37], %swap3A_40 {strides = array<i32>} : memref<128xf32, #tpu.memory_space<vmem>>, vector<16xf32>,
    %broadcast_in_dim3A_41 = arith.constant 1.000000e+00 : f32
    %broadcast_in_dim3A_42 = vector.broadcast %broadcast_in_dim3A_41 : f32 to vector<16xf32>
    %swap3A_43 = arith.constant 112 : index
    %swap3A_44 = tpu.vector_load %arg9[%swap3A_43] {strides = array<i32>} : memref<128xf32, #tpu.memory_space<vmem>>, vector<16xf32>,
    %swap3A_45 = vector.shape_cast %swap3A_44 : vector<16xf32> to vector<16xf32>
    %swap3A_46 = vector.shape_cast %broadcast_in_dim3A_42 : vector<16xf32> to vector<16xf32>
    tpu.vector_store %arg9[%swap3A_43], %swap3A_46 {strides = array<i32>} : memref<128xf32, #tpu.memory_space<vmem>>, vector<16xf32>,
    %broadcast_in_dim3A_47 = arith.constant 0.000000e+00 : f32
    %broadcast_in_dim3A_48 = vector.broadcast %broadcast_in_dim3A_47 : f32 to vector<16xf32>
    %scan3A = arith.constant 0 : i32
    %scan3A_49 = arith.constant 0 : i32
    %scan3A_50 = arith.constant 120 : i32
    %scan3A_51 = arith.addi %scan3A_49, %scan3A_50 : i32
    %scan3A_52 = arith.constant 1 : i32
    scf.for %scan3A_160 = %scan3A_49 to %scan3A_51 step %scan3A_52  : i32 {
      %swap3A_161 = arith.constant 0 : i32
      %swap3A_162 = arith.index_cast %swap3A_161 : i32 to index
      %swap3A_163 = arith.index_cast %scan3A_160 : i32 to index
      %swap3A_164 = arith.constant 0 : index
      %swap3A_165 = tpu.vector_load %arg8[%swap3A_162, %swap3A_163, %swap3A_164] {strides = array<i32>} : memref<2x125x128xf32, #tpu.memory_space<vmem>>, vector<1x1x16xf32>,
      %swap3A_166 = vector.shape_cast %swap3A_165 : vector<1x1x16xf32> to vector<16xf32>
      %swap3A_167 = vector.shape_cast %broadcast_in_dim3A_48 : vector<16xf32> to vector<1x1x16xf32>
      tpu.vector_store %arg8[%swap3A_162, %swap3A_163, %swap3A_164], %swap3A_167 {strides = array<i32>} : memref<2x125x128xf32, #tpu.memory_space<vmem>>, vector<1x1x16xf32>,
      %swap3A_168 = arith.constant 0 : i32
      %swap3A_169 = arith.index_cast %swap3A_168 : i32 to index
      %swap3A_170 = arith.index_cast %scan3A_160 : i32 to index
      %swap3A_171 = arith.constant 16 : index
      %swap3A_172 = tpu.vector_load %arg8[%swap3A_169, %swap3A_170, %swap3A_171] {strides = array<i32>} : memref<2x125x128xf32, #tpu.memory_space<vmem>>, vector<1x1x16xf32>,
      %swap3A_173 = vector.shape_cast %swap3A_172 : vector<1x1x16xf32> to vector<16xf32>
      %swap3A_174 = vector.shape_cast %broadcast_in_dim3A_48 : vector<16xf32> to vector<1x1x16xf32>
      tpu.vector_store %arg8[%swap3A_169, %swap3A_170, %swap3A_171], %swap3A_174 {strides = array<i32>} : memref<2x125x128xf32, #tpu.memory_space<vmem>>, vector<1x1x16xf32>,
      %swap3A_175 = arith.constant 0 : i32
      %swap3A_176 = arith.index_cast %swap3A_175 : i32 to index
      %swap3A_177 = arith.index_cast %scan3A_160 : i32 to index
      %swap3A_178 = arith.constant 32 : index
      %swap3A_179 = tpu.vector_load %arg8[%swap3A_176, %swap3A_177, %swap3A_178] {strides = array<i32>} : memref<2x125x128xf32, #tpu.memory_space<vmem>>, vector<1x1x16xf32>,
      %swap3A_180 = vector.shape_cast %swap3A_179 : vector<1x1x16xf32> to vector<16xf32>
      %swap3A_181 = vector.shape_cast %broadcast_in_dim3A_48 : vector<16xf32> to vector<1x1x16xf32>
      tpu.vector_store %arg8[%swap3A_176, %swap3A_177, %swap3A_178], %swap3A_181 {strides = array<i32>} : memref<2x125x128xf32, #tpu.memory_space<vmem>>, vector<1x1x16xf32>,
      %swap3A_182 = arith.constant 0 : i32
      %swap3A_183 = arith.index_cast %swap3A_182 : i32 to index
      %swap3A_184 = arith.index_cast %scan3A_160 : i32 to index
      %swap3A_185 = arith.constant 48 : index
      %swap3A_186 = tpu.vector_load %arg8[%swap3A_183, %swap3A_184, %swap3A_185] {strides = array<i32>} : memref<2x125x128xf32, #tpu.memory_space<vmem>>, vector<1x1x16xf32>,
      %swap3A_187 = vector.shape_cast %swap3A_186 : vector<1x1x16xf32> to vector<16xf32>
      %swap3A_188 = vector.shape_cast %broadcast_in_dim3A_48 : vector<16xf32> to vector<1x1x16xf32>
      tpu.vector_store %arg8[%swap3A_183, %swap3A_184, %swap3A_185], %swap3A_188 {strides = array<i32>} : memref<2x125x128xf32, #tpu.memory_space<vmem>>, vector<1x1x16xf32>,
      %swap3A_189 = arith.constant 0 : i32
      %swap3A_190 = arith.index_cast %swap3A_189 : i32 to index
      %swap3A_191 = arith.index_cast %scan3A_160 : i32 to index
      %swap3A_192 = arith.constant 64 : index
      %swap3A_193 = tpu.vector_load %arg8[%swap3A_190, %swap3A_191, %swap3A_192] {strides = array<i32>} : memref<2x125x128xf32, #tpu.memory_space<vmem>>, vector<1x1x16xf32>,
      %swap3A_194 = vector.shape_cast %swap3A_193 : vector<1x1x16xf32> to vector<16xf32>
      %swap3A_195 = vector.shape_cast %broadcast_in_dim3A_48 : vector<16xf32> to vector<1x1x16xf32>
      tpu.vector_store %arg8[%swap3A_190, %swap3A_191, %swap3A_192], %swap3A_195 {strides = array<i32>} : memref<2x125x128xf32, #tpu.memory_space<vmem>>, vector<1x1x16xf32>,
      %swap3A_196 = arith.constant 0 : i32
      %swap3A_197 = arith.index_cast %swap3A_196 : i32 to index
      %swap3A_198 = arith.index_cast %scan3A_160 : i32 to index
      %swap3A_199 = arith.constant 80 : index
      %swap3A_200 = tpu.vector_load %arg8[%swap3A_197, %swap3A_198, %swap3A_199] {strides = array<i32>} : memref<2x125x128xf32, #tpu.memory_space<vmem>>, vector<1x1x16xf32>,
      %swap3A_201 = vector.shape_cast %swap3A_200 : vector<1x1x16xf32> to vector<16xf32>
      %swap3A_202 = vector.shape_cast %broadcast_in_dim3A_48 : vector<16xf32> to vector<1x1x16xf32>
      tpu.vector_store %arg8[%swap3A_197, %swap3A_198, %swap3A_199], %swap3A_202 {strides = array<i32>} : memref<2x125x128xf32, #tpu.memory_space<vmem>>, vector<1x1x16xf32>,
      %swap3A_203 = arith.constant 0 : i32
      %swap3A_204 = arith.index_cast %swap3A_203 : i32 to index
      %swap3A_205 = arith.index_cast %scan3A_160 : i32 to index
      %swap3A_206 = arith.constant 96 : index
      %swap3A_207 = tpu.vector_load %arg8[%swap3A_204, %swap3A_205, %swap3A_206] {strides = array<i32>} : memref<2x125x128xf32, #tpu.memory_space<vmem>>, vector<1x1x16xf32>,
      %swap3A_208 = vector.shape_cast %swap3A_207 : vector<1x1x16xf32> to vector<16xf32>
      %swap3A_209 = vector.shape_cast %broadcast_in_dim3A_48 : vector<16xf32> to vector<1x1x16xf32>
      tpu.vector_store %arg8[%swap3A_204, %swap3A_205, %swap3A_206], %swap3A_209 {strides = array<i32>} : memref<2x125x128xf32, #tpu.memory_space<vmem>>, vector<1x1x16xf32>,
      %swap3A_210 = arith.constant 0 : i32
      %swap3A_211 = arith.index_cast %swap3A_210 : i32 to index
      %swap3A_212 = arith.index_cast %scan3A_160 : i32 to index
      %swap3A_213 = arith.constant 112 : index
      %swap3A_214 = tpu.vector_load %arg8[%swap3A_211, %swap3A_212, %swap3A_213] {strides = array<i32>} : memref<2x125x128xf32, #tpu.memory_space<vmem>>, vector<1x1x16xf32>,
      %swap3A_215 = vector.shape_cast %swap3A_214 : vector<1x1x16xf32> to vector<16xf32>
      %swap3A_216 = vector.shape_cast %broadcast_in_dim3A_48 : vector<16xf32> to vector<1x1x16xf32>
      tpu.vector_store %arg8[%swap3A_211, %swap3A_212, %swap3A_213], %swap3A_216 {strides = array<i32>} : memref<2x125x128xf32, #tpu.memory_space<vmem>>, vector<1x1x16xf32>,
    }
    %scan3A_53 = arith.constant 120 : i32
    %scan3A_54 = arith.constant 0 : i32
    %scan3A_55 = arith.constant 0 : i32
    %scan3A_56 = arith.constant 40 : i32
    %scan3A_57 = arith.addi %scan3A_55, %scan3A_56 : i32
    %scan3A_58 = arith.constant 1 : i32
    scf.for %scan3A_160 = %scan3A_55 to %scan3A_57 step %scan3A_58  : i32 {
      %mul3A_161 = arith.constant 16 : i32
      %mul3A_162 = arith.muli %scan3A_160, %mul3A_161 : i32
      %swap3A_163 = arith.index_cast %mul3A_162 : i32 to index
      %swap3A_164 = tpu.vector_load %arg10[%swap3A_163] {strides = array<i32>} : memref<640xf32, #tpu.memory_space<vmem>>, vector<16xf32>,
      %swap3A_165 = vector.shape_cast %swap3A_164 : vector<16xf32> to vector<16xf32>
      %swap3A_166 = vector.shape_cast %broadcast_in_dim3A_48 : vector<16xf32> to vector<16xf32>
      tpu.vector_store %arg10[%swap3A_163], %swap3A_166 {strides = array<i32>} : memref<640xf32, #tpu.memory_space<vmem>>, vector<16xf32>,
    }
    %scan3A_59 = arith.constant 40 : i32
    %mul3A_60 = arith.constant 624 : i32
    %mul3A_61 = arith.muli %arg1, %mul3A_60 : i32
    %add3A_62 = arith.constant 0 : i32
    %add3A_63 = arith.addi %mul3A_61, %add3A_62 : i32
    %run_scoped3A = arith.constant 0 : i32
    "tpu.region"() ({
      %run_scoped3A_160 = tpu.sem_alloc : memref<!tpu.dma_semaphore, #tpu.memory_space<semaphore_mem>>
      %dma_start3A_161 = arith.constant 0 : i32
      %dma_start3A_162 = arith.constant 0 : i32
      %dma_start3A_163 = tpu.memref_slice %arg8[%run_scoped3A, %dma_start3A_161, %dma_start3A_162] : memref<2x125x128xf32, #tpu.memory_space<vmem>> -> memref<1x120x128xf32, #tpu.memory_space<vmem>>
      %dma_start3A_164 = tpu.memref_squeeze %dma_start3A_163 : memref<1x120x128xf32, #tpu.memory_space<vmem>> -> memref<120x128xf32, #tpu.memory_space<vmem>>
      %dma_start3A_165 = arith.constant 0 : i32
      %dma_start3A_166 = tpu.memref_slice %arg11[%add3A_63, %dma_start3A_165] : memref<10000x128xf32, #tpu.memory_space<vmem_shared>> -> memref<120x128xf32, #tpu.memory_space<vmem_shared>>
      %dma_start3A_167 = arith.constant 0 : i32
      %dma_start3A_168 = tpu.memref_slice %arg11[%add3A_63, %dma_start3A_167] : memref<10000x128xf32, #tpu.memory_space<vmem_shared>> -> memref<120x128xf32, #tpu.memory_space<vmem_shared>>
      %dma_start3A_169 = arith.constant 0 : i32
      %dma_start3A_170 = arith.constant 0 : i32
      %dma_start3A_171 = tpu.memref_slice %arg8[%run_scoped3A, %dma_start3A_169, %dma_start3A_170] : memref<2x125x128xf32, #tpu.memory_space<vmem>> -> memref<1x120x128xf32, #tpu.memory_space<vmem>>
      %dma_start3A_172 = tpu.memref_squeeze %dma_start3A_171 : memref<1x120x128xf32, #tpu.memory_space<vmem>> -> memref<120x128xf32, #tpu.memory_space<vmem>>
      tpu.enqueue_dma source(%dma_start3A_172 : memref<120x128xf32, #tpu.memory_space<vmem>>) target(%dma_start3A_168 : memref<120x128xf32, #tpu.memory_space<vmem_shared>>) target_semaphore(%run_scoped3A_160 : memref<!tpu.dma_semaphore, #tpu.memory_space<semaphore_mem>>)
      %dma_wait3A = arith.constant 0 : i32
      %dma_wait3A_173 = arith.constant 0 : i32
      %dma_wait3A_174 = tpu.memref_slice %arg8[%run_scoped3A, %dma_wait3A, %dma_wait3A_173] : memref<2x125x128xf32, #tpu.memory_space<vmem>> -> memref<1x120x128xf32, #tpu.memory_space<vmem>>
      %dma_wait3A_175 = tpu.memref_squeeze %dma_wait3A_174 : memref<1x120x128xf32, #tpu.memory_space<vmem>> -> memref<120x128xf32, #tpu.memory_space<vmem>>
      %dma_wait3A_176 = arith.constant 0 : i32
      %dma_wait3A_177 = tpu.memref_slice %arg11[%add3A_63, %dma_wait3A_176] : memref<10000x128xf32, #tpu.memory_space<vmem_shared>> -> memref<120x128xf32, #tpu.memory_space<vmem_shared>>
      %dma_wait3A_178 = arith.constant 0 : i32
      %dma_wait3A_179 = tpu.memref_slice %arg11[%add3A_63, %dma_wait3A_178] : memref<10000x128xf32, #tpu.memory_space<vmem_shared>> -> memref<120x128xf32, #tpu.memory_space<vmem_shared>>
      %dma_wait3A_180 = arith.constant 0 : i32
      %dma_wait3A_181 = arith.constant 0 : i32
      %dma_wait3A_182 = tpu.memref_slice %arg8[%run_scoped3A, %dma_wait3A_180, %dma_wait3A_181] : memref<2x125x128xf32, #tpu.memory_space<vmem>> -> memref<1x120x128xf32, #tpu.memory_space<vmem>>
      %dma_wait3A_183 = tpu.memref_squeeze %dma_wait3A_182 : memref<1x120x128xf32, #tpu.memory_space<vmem>> -> memref<120x128xf32, #tpu.memory_space<vmem>>
      tpu.wait_dma2 semaphore(%run_scoped3A_160 : memref<!tpu.dma_semaphore, #tpu.memory_space<semaphore_mem>>) src(%dma_wait3A_183 : memref<120x128xf32, #tpu.memory_space<vmem>>) dst(%dma_wait3A_179 : memref<120x128xf32, #tpu.memory_space<vmem_shared>>)
      tpu.yield
    }) : () -> ()
    %add3A_64 = arith.constant 120 : i32
    %add3A_65 = arith.addi %mul3A_61, %add3A_64 : i32
    %run_scoped3A_66 = arith.constant 0 : i32
    "tpu.region"() ({
      %run_scoped3A_160 = tpu.sem_alloc : memref<!tpu.dma_semaphore, #tpu.memory_space<semaphore_mem>>
      %dma_start3A_161 = arith.constant 0 : i32
      %dma_start3A_162 = arith.constant 0 : i32
      %dma_start3A_163 = tpu.memref_slice %arg8[%run_scoped3A_66, %dma_start3A_161, %dma_start3A_162] : memref<2x125x128xf32, #tpu.memory_space<vmem>> -> memref<1x120x128xf32, #tpu.memory_space<vmem>>
      %dma_start3A_164 = tpu.memref_squeeze %dma_start3A_163 : memref<1x120x128xf32, #tpu.memory_space<vmem>> -> memref<120x128xf32, #tpu.memory_space<vmem>>
      %dma_start3A_165 = arith.constant 0 : i32
      %dma_start3A_166 = tpu.memref_slice %arg11[%add3A_65, %dma_start3A_165] : memref<10000x128xf32, #tpu.memory_space<vmem_shared>> -> memref<120x128xf32, #tpu.memory_space<vmem_shared>>
      %dma_start3A_167 = arith.constant 0 : i32
      %dma_start3A_168 = tpu.memref_slice %arg11[%add3A_65, %dma_start3A_167] : memref<10000x128xf32, #tpu.memory_space<vmem_shared>> -> memref<120x128xf32, #tpu.memory_space<vmem_shared>>
      %dma_start3A_169 = arith.constant 0 : i32
      %dma_start3A_170 = arith.constant 0 : i32
      %dma_start3A_171 = tpu.memref_slice %arg8[%run_scoped3A_66, %dma_start3A_169, %dma_start3A_170] : memref<2x125x128xf32, #tpu.memory_space<vmem>> -> memref<1x120x128xf32, #tpu.memory_space<vmem>>
      %dma_start3A_172 = tpu.memref_squeeze %dma_start3A_171 : memref<1x120x128xf32, #tpu.memory_space<vmem>> -> memref<120x128xf32, #tpu.memory_space<vmem>>
      tpu.enqueue_dma source(%dma_start3A_172 : memref<120x128xf32, #tpu.memory_space<vmem>>) target(%dma_start3A_168 : memref<120x128xf32, #tpu.memory_space<vmem_shared>>) target_semaphore(%run_scoped3A_160 : memref<!tpu.dma_semaphore, #tpu.memory_space<semaphore_mem>>)
      %dma_wait3A = arith.constant 0 : i32
      %dma_wait3A_173 = arith.constant 0 : i32
      %dma_wait3A_174 = tpu.memref_slice %arg8[%run_scoped3A_66, %dma_wait3A, %dma_wait3A_173] : memref<2x125x128xf32, #tpu.memory_space<vmem>> -> memref<1x120x128xf32, #tpu.memory_space<vmem>>
      %dma_wait3A_175 = tpu.memref_squeeze %dma_wait3A_174 : memref<1x120x128xf32, #tpu.memory_space<vmem>> -> memref<120x128xf32, #tpu.memory_space<vmem>>
      %dma_wait3A_176 = arith.constant 0 : i32
      %dma_wait3A_177 = tpu.memref_slice %arg11[%add3A_65, %dma_wait3A_176] : memref<10000x128xf32, #tpu.memory_space<vmem_shared>> -> memref<120x128xf32, #tpu.memory_space<vmem_shared>>
      %dma_wait3A_178 = arith.constant 0 : i32
      %dma_wait3A_179 = tpu.memref_slice %arg11[%add3A_65, %dma_wait3A_178] : memref<10000x128xf32, #tpu.memory_space<vmem_shared>> -> memref<120x128xf32, #tpu.memory_space<vmem_shared>>
      %dma_wait3A_180 = arith.constant 0 : i32
      %dma_wait3A_181 = arith.constant 0 : i32
      %dma_wait3A_182 = tpu.memref_slice %arg8[%run_scoped3A_66, %dma_wait3A_180, %dma_wait3A_181] : memref<2x125x128xf32, #tpu.memory_space<vmem>> -> memref<1x120x128xf32, #tpu.memory_space<vmem>>
      %dma_wait3A_183 = tpu.memref_squeeze %dma_wait3A_182 : memref<1x120x128xf32, #tpu.memory_space<vmem>> -> memref<120x128xf32, #tpu.memory_space<vmem>>
      tpu.wait_dma2 semaphore(%run_scoped3A_160 : memref<!tpu.dma_semaphore, #tpu.memory_space<semaphore_mem>>) src(%dma_wait3A_183 : memref<120x128xf32, #tpu.memory_space<vmem>>) dst(%dma_wait3A_179 : memref<120x128xf32, #tpu.memory_space<vmem_shared>>)
      tpu.yield
    }) : () -> ()
    %add3A_67 = arith.constant 240 : i32
    %add3A_68 = arith.addi %mul3A_61, %add3A_67 : i32
    %run_scoped3A_69 = arith.constant 0 : i32
    "tpu.region"() ({
      %run_scoped3A_160 = tpu.sem_alloc : memref<!tpu.dma_semaphore, #tpu.memory_space<semaphore_mem>>
      %dma_start3A_161 = arith.constant 0 : i32
      %dma_start3A_162 = arith.constant 0 : i32
      %dma_start3A_163 = tpu.memref_slice %arg8[%run_scoped3A_69, %dma_start3A_161, %dma_start3A_162] : memref<2x125x128xf32, #tpu.memory_space<vmem>> -> memref<1x120x128xf32, #tpu.memory_space<vmem>>
      %dma_start3A_164 = tpu.memref_squeeze %dma_start3A_163 : memref<1x120x128xf32, #tpu.memory_space<vmem>> -> memref<120x128xf32, #tpu.memory_space<vmem>>
      %dma_start3A_165 = arith.constant 0 : i32
      %dma_start3A_166 = tpu.memref_slice %arg11[%add3A_68, %dma_start3A_165] : memref<10000x128xf32, #tpu.memory_space<vmem_shared>> -> memref<120x128xf32, #tpu.memory_space<vmem_shared>>
      %dma_start3A_167 = arith.constant 0 : i32
      %dma_start3A_168 = tpu.memref_slice %arg11[%add3A_68, %dma_start3A_167] : memref<10000x128xf32, #tpu.memory_space<vmem_shared>> -> memref<120x128xf32, #tpu.memory_space<vmem_shared>>
      %dma_start3A_169 = arith.constant 0 : i32
      %dma_start3A_170 = arith.constant 0 : i32
      %dma_start3A_171 = tpu.memref_slice %arg8[%run_scoped3A_69, %dma_start3A_169, %dma_start3A_170] : memref<2x125x128xf32, #tpu.memory_space<vmem>> -> memref<1x120x128xf32, #tpu.memory_space<vmem>>
      %dma_start3A_172 = tpu.memref_squeeze %dma_start3A_171 : memref<1x120x128xf32, #tpu.memory_space<vmem>> -> memref<120x128xf32, #tpu.memory_space<vmem>>
      tpu.enqueue_dma source(%dma_start3A_172 : memref<120x128xf32, #tpu.memory_space<vmem>>) target(%dma_start3A_168 : memref<120x128xf32, #tpu.memory_space<vmem_shared>>) target_semaphore(%run_scoped3A_160 : memref<!tpu.dma_semaphore, #tpu.memory_space<semaphore_mem>>)
      %dma_wait3A = arith.constant 0 : i32
      %dma_wait3A_173 = arith.constant 0 : i32
      %dma_wait3A_174 = tpu.memref_slice %arg8[%run_scoped3A_69, %dma_wait3A, %dma_wait3A_173] : memref<2x125x128xf32, #tpu.memory_space<vmem>> -> memref<1x120x128xf32, #tpu.memory_space<vmem>>
      %dma_wait3A_175 = tpu.memref_squeeze %dma_wait3A_174 : memref<1x120x128xf32, #tpu.memory_space<vmem>> -> memref<120x128xf32, #tpu.memory_space<vmem>>
      %dma_wait3A_176 = arith.constant 0 : i32
      %dma_wait3A_177 = tpu.memref_slice %arg11[%add3A_68, %dma_wait3A_176] : memref<10000x128xf32, #tpu.memory_space<vmem_shared>> -> memref<120x128xf32, #tpu.memory_space<vmem_shared>>
      %dma_wait3A_178 = arith.constant 0 : i32
      %dma_wait3A_179 = tpu.memref_slice %arg11[%add3A_68, %dma_wait3A_178] : memref<10000x128xf32, #tpu.memory_space<vmem_shared>> -> memref<120x128xf32, #tpu.memory_space<vmem_shared>>
      %dma_wait3A_180 = arith.constant 0 : i32
      %dma_wait3A_181 = arith.constant 0 : i32
      %dma_wait3A_182 = tpu.memref_slice %arg8[%run_scoped3A_69, %dma_wait3A_180, %dma_wait3A_181] : memref<2x125x128xf32, #tpu.memory_space<vmem>> -> memref<1x120x128xf32, #tpu.memory_space<vmem>>
      %dma_wait3A_183 = tpu.memref_squeeze %dma_wait3A_182 : memref<1x120x128xf32, #tpu.memory_space<vmem>> -> memref<120x128xf32, #tpu.memory_space<vmem>>
      tpu.wait_dma2 semaphore(%run_scoped3A_160 : memref<!tpu.dma_semaphore, #tpu.memory_space<semaphore_mem>>) src(%dma_wait3A_183 : memref<120x128xf32, #tpu.memory_space<vmem>>) dst(%dma_wait3A_179 : memref<120x128xf32, #tpu.memory_space<vmem_shared>>)
      tpu.yield
    }) : () -> ()
    %add3A_70 = arith.constant 360 : i32
    %add3A_71 = arith.addi %mul3A_61, %add3A_70 : i32
    %run_scoped3A_72 = arith.constant 0 : i32
    "tpu.region"() ({
      %run_scoped3A_160 = tpu.sem_alloc : memref<!tpu.dma_semaphore, #tpu.memory_space<semaphore_mem>>
      %dma_start3A_161 = arith.constant 0 : i32
      %dma_start3A_162 = arith.constant 0 : i32
      %dma_start3A_163 = tpu.memref_slice %arg8[%run_scoped3A_72, %dma_start3A_161, %dma_start3A_162] : memref<2x125x128xf32, #tpu.memory_space<vmem>> -> memref<1x120x128xf32, #tpu.memory_space<vmem>>
      %dma_start3A_164 = tpu.memref_squeeze %dma_start3A_163 : memref<1x120x128xf32, #tpu.memory_space<vmem>> -> memref<120x128xf32, #tpu.memory_space<vmem>>
      %dma_start3A_165 = arith.constant 0 : i32
      %dma_start3A_166 = tpu.memref_slice %arg11[%add3A_71, %dma_start3A_165] : memref<10000x128xf32, #tpu.memory_space<vmem_shared>> -> memref<120x128xf32, #tpu.memory_space<vmem_shared>>
      %dma_start3A_167 = arith.constant 0 : i32
      %dma_start3A_168 = tpu.memref_slice %arg11[%add3A_71, %dma_start3A_167] : memref<10000x128xf32, #tpu.memory_space<vmem_shared>> -> memref<120x128xf32, #tpu.memory_space<vmem_shared>>
      %dma_start3A_169 = arith.constant 0 : i32
      %dma_start3A_170 = arith.constant 0 : i32
      %dma_start3A_171 = tpu.memref_slice %arg8[%run_scoped3A_72, %dma_start3A_169, %dma_start3A_170] : memref<2x125x128xf32, #tpu.memory_space<vmem>> -> memref<1x120x128xf32, #tpu.memory_space<vmem>>
      %dma_start3A_172 = tpu.memref_squeeze %dma_start3A_171 : memref<1x120x128xf32, #tpu.memory_space<vmem>> -> memref<120x128xf32, #tpu.memory_space<vmem>>
      tpu.enqueue_dma source(%dma_start3A_172 : memref<120x128xf32, #tpu.memory_space<vmem>>) target(%dma_start3A_168 : memref<120x128xf32, #tpu.memory_space<vmem_shared>>) target_semaphore(%run_scoped3A_160 : memref<!tpu.dma_semaphore, #tpu.memory_space<semaphore_mem>>)
      %dma_wait3A = arith.constant 0 : i32
      %dma_wait3A_173 = arith.constant 0 : i32
      %dma_wait3A_174 = tpu.memref_slice %arg8[%run_scoped3A_72, %dma_wait3A, %dma_wait3A_173] : memref<2x125x128xf32, #tpu.memory_space<vmem>> -> memref<1x120x128xf32, #tpu.memory_space<vmem>>
      %dma_wait3A_175 = tpu.memref_squeeze %dma_wait3A_174 : memref<1x120x128xf32, #tpu.memory_space<vmem>> -> memref<120x128xf32, #tpu.memory_space<vmem>>
      %dma_wait3A_176 = arith.constant 0 : i32
      %dma_wait3A_177 = tpu.memref_slice %arg11[%add3A_71, %dma_wait3A_176] : memref<10000x128xf32, #tpu.memory_space<vmem_shared>> -> memref<120x128xf32, #tpu.memory_space<vmem_shared>>
      %dma_wait3A_178 = arith.constant 0 : i32
      %dma_wait3A_179 = tpu.memref_slice %arg11[%add3A_71, %dma_wait3A_178] : memref<10000x128xf32, #tpu.memory_space<vmem_shared>> -> memref<120x128xf32, #tpu.memory_space<vmem_shared>>
      %dma_wait3A_180 = arith.constant 0 : i32
      %dma_wait3A_181 = arith.constant 0 : i32
      %dma_wait3A_182 = tpu.memref_slice %arg8[%run_scoped3A_72, %dma_wait3A_180, %dma_wait3A_181] : memref<2x125x128xf32, #tpu.memory_space<vmem>> -> memref<1x120x128xf32, #tpu.memory_space<vmem>>
      %dma_wait3A_183 = tpu.memref_squeeze %dma_wait3A_182 : memref<1x120x128xf32, #tpu.memory_space<vmem>> -> memref<120x128xf32, #tpu.memory_space<vmem>>
      tpu.wait_dma2 semaphore(%run_scoped3A_160 : memref<!tpu.dma_semaphore, #tpu.memory_space<semaphore_mem>>) src(%dma_wait3A_183 : memref<120x128xf32, #tpu.memory_space<vmem>>) dst(%dma_wait3A_179 : memref<120x128xf32, #tpu.memory_space<vmem_shared>>)
      tpu.yield
    }) : () -> ()
    %add3A_73 = arith.constant 480 : i32
    %add3A_74 = arith.addi %mul3A_61, %add3A_73 : i32
    %run_scoped3A_75 = arith.constant 0 : i32
    "tpu.region"() ({
      %run_scoped3A_160 = tpu.sem_alloc : memref<!tpu.dma_semaphore, #tpu.memory_space<semaphore_mem>>
      %dma_start3A_161 = arith.constant 0 : i32
      %dma_start3A_162 = arith.constant 0 : i32
      %dma_start3A_163 = tpu.memref_slice %arg8[%run_scoped3A_75, %dma_start3A_161, %dma_start3A_162] : memref<2x125x128xf32, #tpu.memory_space<vmem>> -> memref<1x120x128xf32, #tpu.memory_space<vmem>>
      %dma_start3A_164 = tpu.memref_squeeze %dma_start3A_163 : memref<1x120x128xf32, #tpu.memory_space<vmem>> -> memref<120x128xf32, #tpu.memory_space<vmem>>
      %dma_start3A_165 = arith.constant 0 : i32
      %dma_start3A_166 = tpu.memref_slice %arg11[%add3A_74, %dma_start3A_165] : memref<10000x128xf32, #tpu.memory_space<vmem_shared>> -> memref<120x128xf32, #tpu.memory_space<vmem_shared>>
      %dma_start3A_167 = arith.constant 0 : i32
      %dma_start3A_168 = tpu.memref_slice %arg11[%add3A_74, %dma_start3A_167] : memref<10000x128xf32, #tpu.memory_space<vmem_shared>> -> memref<120x128xf32, #tpu.memory_space<vmem_shared>>
      %dma_start3A_169 = arith.constant 0 : i32
      %dma_start3A_170 = arith.constant 0 : i32
      %dma_start3A_171 = tpu.memref_slice %arg8[%run_scoped3A_75, %dma_start3A_169, %dma_start3A_170] : memref<2x125x128xf32, #tpu.memory_space<vmem>> -> memref<1x120x128xf32, #tpu.memory_space<vmem>>
      %dma_start3A_172 = tpu.memref_squeeze %dma_start3A_171 : memref<1x120x128xf32, #tpu.memory_space<vmem>> -> memref<120x128xf32, #tpu.memory_space<vmem>>
      tpu.enqueue_dma source(%dma_start3A_172 : memref<120x128xf32, #tpu.memory_space<vmem>>) target(%dma_start3A_168 : memref<120x128xf32, #tpu.memory_space<vmem_shared>>) target_semaphore(%run_scoped3A_160 : memref<!tpu.dma_semaphore, #tpu.memory_space<semaphore_mem>>)
      %dma_wait3A = arith.constant 0 : i32
      %dma_wait3A_173 = arith.constant 0 : i32
      %dma_wait3A_174 = tpu.memref_slice %arg8[%run_scoped3A_75, %dma_wait3A, %dma_wait3A_173] : memref<2x125x128xf32, #tpu.memory_space<vmem>> -> memref<1x120x128xf32, #tpu.memory_space<vmem>>
      %dma_wait3A_175 = tpu.memref_squeeze %dma_wait3A_174 : memref<1x120x128xf32, #tpu.memory_space<vmem>> -> memref<120x128xf32, #tpu.memory_space<vmem>>
      %dma_wait3A_176 = arith.constant 0 : i32
      %dma_wait3A_177 = tpu.memref_slice %arg11[%add3A_74, %dma_wait3A_176] : memref<10000x128xf32, #tpu.memory_space<vmem_shared>> -> memref<120x128xf32, #tpu.memory_space<vmem_shared>>
      %dma_wait3A_178 = arith.constant 0 : i32
      %dma_wait3A_179 = tpu.memref_slice %arg11[%add3A_74, %dma_wait3A_178] : memref<10000x128xf32, #tpu.memory_space<vmem_shared>> -> memref<120x128xf32, #tpu.memory_space<vmem_shared>>
      %dma_wait3A_180 = arith.constant 0 : i32
      %dma_wait3A_181 = arith.constant 0 : i32
      %dma_wait3A_182 = tpu.memref_slice %arg8[%run_scoped3A_75, %dma_wait3A_180, %dma_wait3A_181] : memref<2x125x128xf32, #tpu.memory_space<vmem>> -> memref<1x120x128xf32, #tpu.memory_space<vmem>>
      %dma_wait3A_183 = tpu.memref_squeeze %dma_wait3A_182 : memref<1x120x128xf32, #tpu.memory_space<vmem>> -> memref<120x128xf32, #tpu.memory_space<vmem>>
      tpu.wait_dma2 semaphore(%run_scoped3A_160 : memref<!tpu.dma_semaphore, #tpu.memory_space<semaphore_mem>>) src(%dma_wait3A_183 : memref<120x128xf32, #tpu.memory_space<vmem>>) dst(%dma_wait3A_179 : memref<120x128xf32, #tpu.memory_space<vmem_shared>>)
      tpu.yield
    }) : () -> ()
    %add3A_76 = arith.constant 624 : i32
    %add3A_77 = arith.addi %mul3A_61, %add3A_76 : i32
    %sub3A = arith.constant 24 : i32
    %sub3A_78 = arith.subi %add3A_77, %sub3A : i32
    %run_scoped3A_79 = arith.constant 0 : i32
    "tpu.region"() ({
      %run_scoped3A_160 = tpu.sem_alloc : memref<!tpu.dma_semaphore, #tpu.memory_space<semaphore_mem>>
      %dma_start3A_161 = arith.constant 0 : i32
      %dma_start3A_162 = arith.constant 0 : i32
      %dma_start3A_163 = tpu.memref_slice %arg8[%run_scoped3A_79, %dma_start3A_161, %dma_start3A_162] : memref<2x125x128xf32, #tpu.memory_space<vmem>> -> memref<1x24x128xf32, #tpu.memory_space<vmem>>
      %dma_start3A_164 = tpu.memref_squeeze %dma_start3A_163 : memref<1x24x128xf32, #tpu.memory_space<vmem>> -> memref<24x128xf32, #tpu.memory_space<vmem>>
      %dma_start3A_165 = arith.constant 0 : i32
      %dma_start3A_166 = tpu.memref_slice %arg11[%sub3A_78, %dma_start3A_165] : memref<10000x128xf32, #tpu.memory_space<vmem_shared>> -> memref<24x128xf32, #tpu.memory_space<vmem_shared>>
      %dma_start3A_167 = arith.constant 0 : i32
      %dma_start3A_168 = tpu.memref_slice %arg11[%sub3A_78, %dma_start3A_167] : memref<10000x128xf32, #tpu.memory_space<vmem_shared>> -> memref<24x128xf32, #tpu.memory_space<vmem_shared>>
      %dma_start3A_169 = arith.constant 0 : i32
      %dma_start3A_170 = arith.constant 0 : i32
      %dma_start3A_171 = tpu.memref_slice %arg8[%run_scoped3A_79, %dma_start3A_169, %dma_start3A_170] : memref<2x125x128xf32, #tpu.memory_space<vmem>> -> memref<1x24x128xf32, #tpu.memory_space<vmem>>
      %dma_start3A_172 = tpu.memref_squeeze %dma_start3A_171 : memref<1x24x128xf32, #tpu.memory_space<vmem>> -> memref<24x128xf32, #tpu.memory_space<vmem>>
      tpu.enqueue_dma source(%dma_start3A_172 : memref<24x128xf32, #tpu.memory_space<vmem>>) target(%dma_start3A_168 : memref<24x128xf32, #tpu.memory_space<vmem_shared>>) target_semaphore(%run_scoped3A_160 : memref<!tpu.dma_semaphore, #tpu.memory_space<semaphore_mem>>)
      %dma_wait3A = arith.constant 0 : i32
      %dma_wait3A_173 = arith.constant 0 : i32
      %dma_wait3A_174 = tpu.memref_slice %arg8[%run_scoped3A_79, %dma_wait3A, %dma_wait3A_173] : memref<2x125x128xf32, #tpu.memory_space<vmem>> -> memref<1x24x128xf32, #tpu.memory_space<vmem>>
      %dma_wait3A_175 = tpu.memref_squeeze %dma_wait3A_174 : memref<1x24x128xf32, #tpu.memory_space<vmem>> -> memref<24x128xf32, #tpu.memory_space<vmem>>
      %dma_wait3A_176 = arith.constant 0 : i32
      %dma_wait3A_177 = tpu.memref_slice %arg11[%sub3A_78, %dma_wait3A_176] : memref<10000x128xf32, #tpu.memory_space<vmem_shared>> -> memref<24x128xf32, #tpu.memory_space<vmem_shared>>
      %dma_wait3A_178 = arith.constant 0 : i32
      %dma_wait3A_179 = tpu.memref_slice %arg11[%sub3A_78, %dma_wait3A_178] : memref<10000x128xf32, #tpu.memory_space<vmem_shared>> -> memref<24x128xf32, #tpu.memory_space<vmem_shared>>
      %dma_wait3A_180 = arith.constant 0 : i32
      %dma_wait3A_181 = arith.constant 0 : i32
      %dma_wait3A_182 = tpu.memref_slice %arg8[%run_scoped3A_79, %dma_wait3A_180, %dma_wait3A_181] : memref<2x125x128xf32, #tpu.memory_space<vmem>> -> memref<1x24x128xf32, #tpu.memory_space<vmem>>
      %dma_wait3A_183 = tpu.memref_squeeze %dma_wait3A_182 : memref<1x24x128xf32, #tpu.memory_space<vmem>> -> memref<24x128xf32, #tpu.memory_space<vmem>>
      tpu.wait_dma2 semaphore(%run_scoped3A_160 : memref<!tpu.dma_semaphore, #tpu.memory_space<semaphore_mem>>) src(%dma_wait3A_183 : memref<24x128xf32, #tpu.memory_space<vmem>>) dst(%dma_wait3A_179 : memref<24x128xf32, #tpu.memory_space<vmem_shared>>)
      tpu.yield
    }) : () -> ()
    %eq3A = arith.constant 15 : i32
    %eq3A_80 = arith.cmpi eq, %arg1, %eq3A : i32
    %convert_element_type3A = arith.extui %eq3A_80 : i1 to i32
    %cond3A = arith.constant 0 : i32
    %cond3A_81 = arith.cmpi ne, %convert_element_type3A, %cond3A : i32
    scf.if %cond3A_81 {
      %run_scoped3A_160 = arith.constant 0 : i32
      "tpu.region"() ({
        %run_scoped3A_161 = tpu.sem_alloc : memref<!tpu.dma_semaphore, #tpu.memory_space<semaphore_mem>>
        %dma_start3A_162 = arith.constant 0 : i32
        %dma_start3A_163 = arith.constant 0 : i32
        %dma_start3A_164 = tpu.memref_slice %arg8[%run_scoped3A_160, %dma_start3A_162, %dma_start3A_163] : memref<2x125x128xf32, #tpu.memory_space<vmem>> -> memref<1x16x128xf32, #tpu.memory_space<vmem>>
        %dma_start3A_165 = tpu.memref_squeeze %dma_start3A_164 : memref<1x16x128xf32, #tpu.memory_space<vmem>> -> memref<16x128xf32, #tpu.memory_space<vmem>>
        %dma_start3A_166 = arith.constant 9984 : i32
        %dma_start3A_167 = arith.constant 0 : i32
        %dma_start3A_168 = tpu.memref_slice %arg11[%dma_start3A_166, %dma_start3A_167] : memref<10000x128xf32, #tpu.memory_space<vmem_shared>> -> memref<16x128xf32, #tpu.memory_space<vmem_shared>>
        %dma_start3A_169 = arith.constant 9984 : i32
        %dma_start3A_170 = arith.constant 0 : i32
        %dma_start3A_171 = tpu.memref_slice %arg11[%dma_start3A_169, %dma_start3A_170] : memref<10000x128xf32, #tpu.memory_space<vmem_shared>> -> memref<16x128xf32, #tpu.memory_space<vmem_shared>>
        %dma_start3A_172 = arith.constant 0 : i32
        %dma_start3A_173 = arith.constant 0 : i32
        %dma_start3A_174 = tpu.memref_slice %arg8[%run_scoped3A_160, %dma_start3A_172, %dma_start3A_173] : memref<2x125x128xf32, #tpu.memory_space<vmem>> -> memref<1x16x128xf32, #tpu.memory_space<vmem>>
        %dma_start3A_175 = tpu.memref_squeeze %dma_start3A_174 : memref<1x16x128xf32, #tpu.memory_space<vmem>> -> memref<16x128xf32, #tpu.memory_space<vmem>>
        tpu.enqueue_dma source(%dma_start3A_175 : memref<16x128xf32, #tpu.memory_space<vmem>>) target(%dma_start3A_171 : memref<16x128xf32, #tpu.memory_space<vmem_shared>>) target_semaphore(%run_scoped3A_161 : memref<!tpu.dma_semaphore, #tpu.memory_space<semaphore_mem>>)
        %dma_wait3A = arith.constant 0 : i32
        %dma_wait3A_176 = arith.constant 0 : i32
        %dma_wait3A_177 = tpu.memref_slice %arg8[%run_scoped3A_160, %dma_wait3A, %dma_wait3A_176] : memref<2x125x128xf32, #tpu.memory_space<vmem>> -> memref<1x16x128xf32, #tpu.memory_space<vmem>>
        %dma_wait3A_178 = tpu.memref_squeeze %dma_wait3A_177 : memref<1x16x128xf32, #tpu.memory_space<vmem>> -> memref<16x128xf32, #tpu.memory_space<vmem>>
        %dma_wait3A_179 = arith.constant 9984 : i32
        %dma_wait3A_180 = arith.constant 0 : i32
        %dma_wait3A_181 = tpu.memref_slice %arg11[%dma_wait3A_179, %dma_wait3A_180] : memref<10000x128xf32, #tpu.memory_space<vmem_shared>> -> memref<16x128xf32, #tpu.memory_space<vmem_shared>>
        %dma_wait3A_182 = arith.constant 9984 : i32
        %dma_wait3A_183 = arith.constant 0 : i32
        %dma_wait3A_184 = tpu.memref_slice %arg11[%dma_wait3A_182, %dma_wait3A_183] : memref<10000x128xf32, #tpu.memory_space<vmem_shared>> -> memref<16x128xf32, #tpu.memory_space<vmem_shared>>
        %dma_wait3A_185 = arith.constant 0 : i32
        %dma_wait3A_186 = arith.constant 0 : i32
        %dma_wait3A_187 = tpu.memref_slice %arg8[%run_scoped3A_160, %dma_wait3A_185, %dma_wait3A_186] : memref<2x125x128xf32, #tpu.memory_space<vmem>> -> memref<1x16x128xf32, #tpu.memory_space<vmem>>
        %dma_wait3A_188 = tpu.memref_squeeze %dma_wait3A_187 : memref<1x16x128xf32, #tpu.memory_space<vmem>> -> memref<16x128xf32, #tpu.memory_space<vmem>>
        tpu.wait_dma2 semaphore(%run_scoped3A_161 : memref<!tpu.dma_semaphore, #tpu.memory_space<semaphore_mem>>) src(%dma_wait3A_188 : memref<16x128xf32, #tpu.memory_space<vmem>>) dst(%dma_wait3A_184 : memref<16x128xf32, #tpu.memory_space<vmem_shared>>)
        tpu.yield
      }) : () -> ()
    } else {
    }
    %mul3A_82 = arith.constant 640 : i32
    %mul3A_83 = arith.muli %arg1, %mul3A_82 : i32
    "tpu.region"() ({
      %run_scoped3A_160 = tpu.sem_alloc : memref<!tpu.dma_semaphore, #tpu.memory_space<semaphore_mem>>
      %dma_start3A_161 = tpu.memref_slice %arg12[%mul3A_83] : memref<10240xf32, #tpu.memory_space<vmem_shared>> -> memref<640xf32, #tpu.memory_space<vmem_shared>>
      %dma_start3A_162 = tpu.memref_slice %arg12[%mul3A_83] : memref<10240xf32, #tpu.memory_space<vmem_shared>> -> memref<640xf32, #tpu.memory_space<vmem_shared>>
      tpu.enqueue_dma source(%arg10 : memref<640xf32, #tpu.memory_space<vmem>>) target(%dma_start3A_162 : memref<640xf32, #tpu.memory_space<vmem_shared>>) target_semaphore(%run_scoped3A_160 : memref<!tpu.dma_semaphore, #tpu.memory_space<semaphore_mem>>)
      %dma_wait3A = tpu.memref_slice %arg12[%mul3A_83] : memref<10240xf32, #tpu.memory_space<vmem_shared>> -> memref<640xf32, #tpu.memory_space<vmem_shared>>
      %dma_wait3A_163 = tpu.memref_slice %arg12[%mul3A_83] : memref<10240xf32, #tpu.memory_space<vmem_shared>> -> memref<640xf32, #tpu.memory_space<vmem_shared>>
      tpu.wait_dma2 semaphore(%run_scoped3A_160 : memref<!tpu.dma_semaphore, #tpu.memory_space<semaphore_mem>>) src(%arg10 : memref<640xf32, #tpu.memory_space<vmem>>) dst(%dma_wait3A_163 : memref<640xf32, #tpu.memory_space<vmem_shared>>)
      tpu.yield
    }) : () -> ()
    %barrier3A = arith.constant 0 : index
    tpu.barrier barrier_id(%barrier3A)
    %run_scoped3A_84 = arith.constant 0 : i32
    "tpu.region"() ({
      %run_scoped3A_160 = tpu.sem_alloc : memref<!tpu.dma_semaphore, #tpu.memory_space<semaphore_mem>>
      %dma_start3A_161 = arith.constant 0 : i32
      %dma_start3A_162 = arith.constant 0 : i32
      %dma_start3A_163 = tpu.memref_slice %arg3[%run_scoped3A_84, %add3A, %dma_start3A_161, %dma_start3A_162] : memref<2x32x80x125xi32, #tpu.memory_space<hbm>> -> memref<1x1x40x125xi32, #tpu.memory_space<hbm>>
      %dma_start3A_164 = tpu.memref_squeeze %dma_start3A_163 : memref<1x1x40x125xi32, #tpu.memory_space<hbm>> -> memref<40x125xi32, #tpu.memory_space<hbm>>
      %dma_start3A_165 = arith.constant 0 : i32
      %dma_start3A_166 = arith.constant 0 : i32
      %dma_start3A_167 = tpu.memref_slice %arg3[%run_scoped3A_84, %add3A, %dma_start3A_165, %dma_start3A_166] : memref<2x32x80x125xi32, #tpu.memory_space<hbm>> -> memref<1x1x40x125xi32, #tpu.memory_space<hbm>>
      %dma_start3A_168 = tpu.memref_squeeze %dma_start3A_167 : memref<1x1x40x125xi32, #tpu.memory_space<hbm>> -> memref<40x125xi32, #tpu.memory_space<hbm>>
      tpu.enqueue_dma source(%dma_start3A_168 : memref<40x125xi32, #tpu.memory_space<hbm>>) target(%arg6 : memref<40x125xi32, #tpu.memory_space<vmem>>) target_semaphore(%run_scoped3A_160 : memref<!tpu.dma_semaphore, #tpu.memory_space<semaphore_mem>>)
      %dma_wait3A = arith.constant 0 : i32
      %dma_wait3A_169 = arith.constant 0 : i32
      %dma_wait3A_170 = tpu.memref_slice %arg3[%run_scoped3A_84, %add3A, %dma_wait3A, %dma_wait3A_169] : memref<2x32x80x125xi32, #tpu.memory_space<hbm>> -> memref<1x1x40x125xi32, #tpu.memory_space<hbm>>
      %dma_wait3A_171 = tpu.memref_squeeze %dma_wait3A_170 : memref<1x1x40x125xi32, #tpu.memory_space<hbm>> -> memref<40x125xi32, #tpu.memory_space<hbm>>
      %dma_wait3A_172 = arith.constant 0 : i32
      %dma_wait3A_173 = arith.constant 0 : i32
      %dma_wait3A_174 = tpu.memref_slice %arg3[%run_scoped3A_84, %add3A, %dma_wait3A_172, %dma_wait3A_173] : memref<2x32x80x125xi32, #tpu.memory_space<hbm>> -> memref<1x1x40x125xi32, #tpu.memory_space<hbm>>
      %dma_wait3A_175 = tpu.memref_squeeze %dma_wait3A_174 : memref<1x1x40x125xi32, #tpu.memory_space<hbm>> -> memref<40x125xi32, #tpu.memory_space<hbm>>
      tpu.wait_dma2 semaphore(%run_scoped3A_160 : memref<!tpu.dma_semaphore, #tpu.memory_space<semaphore_mem>>) src(%dma_wait3A_175 : memref<40x125xi32, #tpu.memory_space<hbm>>) dst(%arg6 : memref<40x125xi32, #tpu.memory_space<vmem>>)
      tpu.yield
    }) : () -> ()
    %run_scoped3A_85 = arith.constant 1 : i32
    "tpu.region"() ({
      %run_scoped3A_160 = tpu.sem_alloc : memref<!tpu.dma_semaphore, #tpu.memory_space<semaphore_mem>>
      %dma_start3A_161 = arith.constant 0 : i32
      %dma_start3A_162 = arith.constant 0 : i32
      %dma_start3A_163 = tpu.memref_slice %arg3[%run_scoped3A_85, %add3A, %dma_start3A_161, %dma_start3A_162] : memref<2x32x80x125xi32, #tpu.memory_space<hbm>> -> memref<1x1x40x125xi32, #tpu.memory_space<hbm>>
      %dma_start3A_164 = tpu.memref_squeeze %dma_start3A_163 : memref<1x1x40x125xi32, #tpu.memory_space<hbm>> -> memref<40x125xi32, #tpu.memory_space<hbm>>
      %dma_start3A_165 = arith.constant 0 : i32
      %dma_start3A_166 = arith.constant 0 : i32
      %dma_start3A_167 = tpu.memref_slice %arg3[%run_scoped3A_85, %add3A, %dma_start3A_165, %dma_start3A_166] : memref<2x32x80x125xi32, #tpu.memory_space<hbm>> -> memref<1x1x40x125xi32, #tpu.memory_space<hbm>>
      %dma_start3A_168 = tpu.memref_squeeze %dma_start3A_167 : memref<1x1x40x125xi32, #tpu.memory_space<hbm>> -> memref<40x125xi32, #tpu.memory_space<hbm>>
      tpu.enqueue_dma source(%dma_start3A_168 : memref<40x125xi32, #tpu.memory_space<hbm>>) target(%arg7 : memref<40x125xi32, #tpu.memory_space<vmem>>) target_semaphore(%run_scoped3A_160 : memref<!tpu.dma_semaphore, #tpu.memory_space<semaphore_mem>>)
      %dma_wait3A = arith.constant 0 : i32
      %dma_wait3A_169 = arith.constant 0 : i32
      %dma_wait3A_170 = tpu.memref_slice %arg3[%run_scoped3A_85, %add3A, %dma_wait3A, %dma_wait3A_169] : memref<2x32x80x125xi32, #tpu.memory_space<hbm>> -> memref<1x1x40x125xi32, #tpu.memory_space<hbm>>
      %dma_wait3A_171 = tpu.memref_squeeze %dma_wait3A_170 : memref<1x1x40x125xi32, #tpu.memory_space<hbm>> -> memref<40x125xi32, #tpu.memory_space<hbm>>
      %dma_wait3A_172 = arith.constant 0 : i32
      %dma_wait3A_173 = arith.constant 0 : i32
      %dma_wait3A_174 = tpu.memref_slice %arg3[%run_scoped3A_85, %add3A, %dma_wait3A_172, %dma_wait3A_173] : memref<2x32x80x125xi32, #tpu.memory_space<hbm>> -> memref<1x1x40x125xi32, #tpu.memory_space<hbm>>
      %dma_wait3A_175 = tpu.memref_squeeze %dma_wait3A_174 : memref<1x1x40x125xi32, #tpu.memory_space<hbm>> -> memref<40x125xi32, #tpu.memory_space<hbm>>
      tpu.wait_dma2 semaphore(%run_scoped3A_160 : memref<!tpu.dma_semaphore, #tpu.memory_space<semaphore_mem>>) src(%dma_wait3A_175 : memref<40x125xi32, #tpu.memory_space<hbm>>) dst(%arg7 : memref<40x125xi32, #tpu.memory_space<vmem>>)
      tpu.yield
    }) : () -> ()
    %dma_start3A = arith.constant 0 : i32
    %dma_start3A_86 = arith.constant 0 : i32
    %dma_start3A_87 = arith.constant 0 : i32
    %dma_start3A_88 = arith.constant 0 : i32
    %dma_start3A_89 = tpu.memref_slice %arg8[%dma_start3A_86, %dma_start3A_87, %dma_start3A_88] : memref<2x125x128xf32, #tpu.memory_space<vmem>> -> memref<1x125x128xf32, #tpu.memory_space<vmem>>
    %dma_start3A_90 = tpu.memref_squeeze %dma_start3A_89 : memref<1x125x128xf32, #tpu.memory_space<vmem>> -> memref<125x128xf32, #tpu.memory_space<vmem>>
    %dma_start3A_91 = arith.constant 0 : i32
    %dma_start3A_92 = tpu.memref_slice %arg6[%dma_start3A, %dma_start3A_91] : memref<40x125xi32, #tpu.memory_space<vmem>> -> memref<1x125xi32, #tpu.memory_space<vmem>>
    %dma_start3A_93 = tpu.memref_squeeze %dma_start3A_92 : memref<1x125xi32, #tpu.memory_space<vmem>> -> memref<125xi32, #tpu.memory_space<vmem>>
    %dma_start3A_94 = arith.constant 0 : i32
    %dma_start3A_95 = arith.constant 0 : i32
    %dma_start3A_96 = tpu.memref_slice %arg2[%dma_start3A_94, %dma_start3A_95] : memref<10000x128xf32, #tpu.memory_space<hbm>> -> memref<10000x128xf32, #tpu.memory_space<hbm>>
    tpu.enqueue_indirect_dma source(%dma_start3A_96 : memref<10000x128xf32, #tpu.memory_space<hbm>>) target(%dma_start3A_90 : memref<125x128xf32, #tpu.memory_space<vmem>>) offsets(%dma_start3A_93 : memref<125xi32, #tpu.memory_space<vmem>>) semaphore(%arg13 : memref<!tpu.dma_semaphore, #tpu.memory_space<semaphore_mem>>)
    %dma_start3A_97 = arith.constant 1 : i32
    %dma_start3A_98 = arith.constant 1 : i32
    %dma_start3A_99 = arith.constant 0 : i32
    %dma_start3A_100 = arith.constant 0 : i32
    %dma_start3A_101 = tpu.memref_slice %arg8[%dma_start3A_98, %dma_start3A_99, %dma_start3A_100] : memref<2x125x128xf32, #tpu.memory_space<vmem>> -> memref<1x125x128xf32, #tpu.memory_space<vmem>>
    %dma_start3A_102 = tpu.memref_squeeze %dma_start3A_101 : memref<1x125x128xf32, #tpu.memory_space<vmem>> -> memref<125x128xf32, #tpu.memory_space<vmem>>
    %dma_start3A_103 = arith.constant 0 : i32
    %dma_start3A_104 = tpu.memref_slice %arg6[%dma_start3A_97, %dma_start3A_103] : memref<40x125xi32, #tpu.memory_space<vmem>> -> memref<1x125xi32, #tpu.memory_space<vmem>>
    %dma_start3A_105 = tpu.memref_squeeze %dma_start3A_104 : memref<1x125xi32, #tpu.memory_space<vmem>> -> memref<125xi32, #tpu.memory_space<vmem>>
    %dma_start3A_106 = arith.constant 0 : i32
    %dma_start3A_107 = arith.constant 0 : i32
    %dma_start3A_108 = tpu.memref_slice %arg2[%dma_start3A_106, %dma_start3A_107] : memref<10000x128xf32, #tpu.memory_space<hbm>> -> memref<10000x128xf32, #tpu.memory_space<hbm>>
    tpu.enqueue_indirect_dma source(%dma_start3A_108 : memref<10000x128xf32, #tpu.memory_space<hbm>>) target(%dma_start3A_102 : memref<125x128xf32, #tpu.memory_space<vmem>>) offsets(%dma_start3A_105 : memref<125xi32, #tpu.memory_space<vmem>>) semaphore(%arg14 : memref<!tpu.dma_semaphore, #tpu.memory_space<semaphore_mem>>)
    %scan3A_109 = arith.constant 0 : i32
    %scan3A_110 = arith.constant 0 : i32
    %scan3A_111 = arith.constant 20 : i32
    %scan3A_112 = arith.addi %scan3A_110, %scan3A_111 : i32
    %scan3A_113 = arith.constant 1 : i32
    scf.for %scan3A_160 = %scan3A_110 to %scan3A_112 step %scan3A_113  : i32 {
      %mul3A_161 = arith.constant 2 : i32
      %mul3A_162 = arith.muli %mul3A_161, %scan3A_160 : i32
      %add3A_163 = arith.constant 0 : i32
      %add3A_164 = arith.addi %mul3A_162, %add3A_163 : i32
      %dma_wait3A = arith.constant 0 : i32
      %dma_wait3A_165 = arith.constant 0 : i32
      %dma_wait3A_166 = arith.constant 0 : i32
      %dma_wait3A_167 = tpu.memref_slice %arg8[%dma_wait3A, %dma_wait3A_165, %dma_wait3A_166] : memref<2x125x128xf32, #tpu.memory_space<vmem>> -> memref<1x125x128xf32, #tpu.memory_space<vmem>>
      %dma_wait3A_168 = tpu.memref_squeeze %dma_wait3A_167 : memref<1x125x128xf32, #tpu.memory_space<vmem>> -> memref<125x128xf32, #tpu.memory_space<vmem>>
      %dma_wait3A_169 = arith.constant 0 : i32
      %dma_wait3A_170 = tpu.memref_slice %arg6[%add3A_164, %dma_wait3A_169] : memref<40x125xi32, #tpu.memory_space<vmem>> -> memref<1x125xi32, #tpu.memory_space<vmem>>
      %dma_wait3A_171 = tpu.memref_squeeze %dma_wait3A_170 : memref<1x125xi32, #tpu.memory_space<vmem>> -> memref<125xi32, #tpu.memory_space<vmem>>
      %dma_wait3A_172 = arith.constant 0 : i32
      %dma_wait3A_173 = arith.constant 0 : i32
      %dma_wait3A_174 = tpu.memref_slice %arg2[%dma_wait3A_172, %dma_wait3A_173] : memref<10000x128xf32, #tpu.memory_space<hbm>> -> memref<10000x128xf32, #tpu.memory_space<hbm>>
      tpu.wait_indirect_dma semaphore(%arg13 : memref<!tpu.dma_semaphore, #tpu.memory_space<semaphore_mem>>) src(%dma_wait3A_174 : memref<10000x128xf32, #tpu.memory_space<hbm>>) dst(%dma_wait3A_168 : memref<125x128xf32, #tpu.memory_space<vmem>>)
      %run_scoped3A_175 = arith.constant 0 : i32
      "tpu.region"() ({
        %run_scoped3A_205 = tpu.sem_alloc : memref<!tpu.dma_semaphore, #tpu.memory_space<semaphore_mem>>
        %dma_start3A_206 = arith.constant 0 : i32
        %dma_start3A_207 = arith.constant 0 : i32
        %dma_start3A_208 = tpu.memref_slice %arg8[%run_scoped3A_175, %dma_start3A_206, %dma_start3A_207] : memref<2x125x128xf32, #tpu.memory_space<vmem>> -> memref<1x125x128xf32, #tpu.memory_space<vmem>>
        %dma_start3A_209 = tpu.memref_squeeze %dma_start3A_208 : memref<1x125x128xf32, #tpu.memory_space<vmem>> -> memref<125x128xf32, #tpu.memory_space<vmem>>
        %dma_start3A_210 = arith.constant 0 : i32
        %dma_start3A_211 = tpu.memref_slice %arg7[%add3A_164, %dma_start3A_210] : memref<40x125xi32, #tpu.memory_space<vmem>> -> memref<1x125xi32, #tpu.memory_space<vmem>>
        %dma_start3A_212 = tpu.memref_squeeze %dma_start3A_211 : memref<1x125xi32, #tpu.memory_space<vmem>> -> memref<125xi32, #tpu.memory_space<vmem>>
        %dma_start3A_213 = arith.constant 0 : i32
        %dma_start3A_214 = arith.constant 0 : i32
        %dma_start3A_215 = tpu.memref_slice %arg11[%dma_start3A_213, %dma_start3A_214] : memref<10000x128xf32, #tpu.memory_space<vmem_shared>> -> memref<10000x128xf32, #tpu.memory_space<vmem_shared>>
        tpu.enqueue_indirect_dma source(%dma_start3A_209 : memref<125x128xf32, #tpu.memory_space<vmem>>) target(%dma_start3A_215 : memref<10000x128xf32, #tpu.memory_space<vmem_shared>>) offsets(%dma_start3A_212 : memref<125xi32, #tpu.memory_space<vmem>>) semaphore(%run_scoped3A_205 : memref<!tpu.dma_semaphore, #tpu.memory_space<semaphore_mem>>) {add = true}
        %dma_wait3A_216 = arith.constant 0 : i32
        %dma_wait3A_217 = arith.constant 0 : i32
        %dma_wait3A_218 = tpu.memref_slice %arg8[%run_scoped3A_175, %dma_wait3A_216, %dma_wait3A_217] : memref<2x125x128xf32, #tpu.memory_space<vmem>> -> memref<1x125x128xf32, #tpu.memory_space<vmem>>
        %dma_wait3A_219 = tpu.memref_squeeze %dma_wait3A_218 : memref<1x125x128xf32, #tpu.memory_space<vmem>> -> memref<125x128xf32, #tpu.memory_space<vmem>>
        %dma_wait3A_220 = arith.constant 0 : i32
        %dma_wait3A_221 = tpu.memref_slice %arg7[%add3A_164, %dma_wait3A_220] : memref<40x125xi32, #tpu.memory_space<vmem>> -> memref<1x125xi32, #tpu.memory_space<vmem>>
        %dma_wait3A_222 = tpu.memref_squeeze %dma_wait3A_221 : memref<1x125xi32, #tpu.memory_space<vmem>> -> memref<125xi32, #tpu.memory_space<vmem>>
        %dma_wait3A_223 = arith.constant 0 : i32
        %dma_wait3A_224 = arith.constant 0 : i32
        %dma_wait3A_225 = tpu.memref_slice %arg11[%dma_wait3A_223, %dma_wait3A_224] : memref<10000x128xf32, #tpu.memory_space<vmem_shared>> -> memref<10000x128xf32, #tpu.memory_space<vmem_shared>>
        tpu.wait_indirect_dma semaphore(%run_scoped3A_205 : memref<!tpu.dma_semaphore, #tpu.memory_space<semaphore_mem>>) src(%dma_wait3A_219 : memref<125x128xf32, #tpu.memory_space<vmem>>) dst(%dma_wait3A_225 : memref<10000x128xf32, #tpu.memory_space<vmem_shared>>)
        tpu.yield
      }) : () -> ()
      "tpu.region"() ({
        %run_scoped3A_205 = tpu.sem_alloc : memref<!tpu.dma_semaphore, #tpu.memory_space<semaphore_mem>>
        %dma_start3A_206 = arith.constant 0 : i32
        %dma_start3A_207 = tpu.memref_slice %arg9[%dma_start3A_206] : memref<128xf32, #tpu.memory_space<vmem>> -> memref<125xf32, #tpu.memory_space<vmem>>
        %dma_start3A_208 = arith.constant 0 : i32
        %dma_start3A_209 = tpu.memref_slice %arg7[%add3A_164, %dma_start3A_208] : memref<40x125xi32, #tpu.memory_space<vmem>> -> memref<1x125xi32, #tpu.memory_space<vmem>>
        %dma_start3A_210 = tpu.memref_squeeze %dma_start3A_209 : memref<1x125xi32, #tpu.memory_space<vmem>> -> memref<125xi32, #tpu.memory_space<vmem>>
        %dma_start3A_211 = arith.constant 0 : i32
        %dma_start3A_212 = tpu.memref_slice %arg12[%dma_start3A_211] : memref<10240xf32, #tpu.memory_space<vmem_shared>> -> memref<10240xf32, #tpu.memory_space<vmem_shared>>
        tpu.enqueue_indirect_dma source(%dma_start3A_207 : memref<125xf32, #tpu.memory_space<vmem>>) target(%dma_start3A_212 : memref<10240xf32, #tpu.memory_space<vmem_shared>>) offsets(%dma_start3A_210 : memref<125xi32, #tpu.memory_space<vmem>>) semaphore(%run_scoped3A_205 : memref<!tpu.dma_semaphore, #tpu.memory_space<semaphore_mem>>) {add = true}
        %dma_wait3A_213 = arith.constant 0 : i32
        %dma_wait3A_214 = tpu.memref_slice %arg9[%dma_wait3A_213] : memref<128xf32, #tpu.memory_space<vmem>> -> memref<125xf32, #tpu.memory_space<vmem>>
        %dma_wait3A_215 = arith.constant 0 : i32
        %dma_wait3A_216 = tpu.memref_slice %arg7[%add3A_164, %dma_wait3A_215] : memref<40x125xi32, #tpu.memory_space<vmem>> -> memref<1x125xi32, #tpu.memory_space<vmem>>
        %dma_wait3A_217 = tpu.memref_squeeze %dma_wait3A_216 : memref<1x125xi32, #tpu.memory_space<vmem>> -> memref<125xi32, #tpu.memory_space<vmem>>
        %dma_wait3A_218 = arith.constant 0 : i32
        %dma_wait3A_219 = tpu.memref_slice %arg12[%dma_wait3A_218] : memref<10240xf32, #tpu.memory_space<vmem_shared>> -> memref<10240xf32, #tpu.memory_space<vmem_shared>>
        tpu.wait_indirect_dma semaphore(%run_scoped3A_205 : memref<!tpu.dma_semaphore, #tpu.memory_space<semaphore_mem>>) src(%dma_wait3A_214 : memref<125xf32, #tpu.memory_space<vmem>>) dst(%dma_wait3A_219 : memref<10240xf32, #tpu.memory_space<vmem_shared>>)
        tpu.yield
      }) : () -> ()
      %add3A_176 = arith.constant 2 : i32
      %add3A_177 = arith.addi %add3A_164, %add3A_176 : i32
      %lt3A = arith.constant 40 : i32
      %lt3A_178 = arith.cmpi slt, %add3A_177, %lt3A : i32
      %convert_element_type3A_179 = arith.extui %lt3A_178 : i1 to i32
      %cond3A_180 = arith.constant 0 : i32
      %cond3A_181 = arith.cmpi ne, %convert_element_type3A_179, %cond3A_180 : i32
      scf.if %cond3A_181 {
        %add3A_205 = arith.constant 2 : i32
        %add3A_206 = arith.addi %add3A_164, %add3A_205 : i32
        %dma_start3A_207 = arith.constant 0 : i32
        %dma_start3A_208 = arith.constant 0 : i32
        %dma_start3A_209 = arith.constant 0 : i32
        %dma_start3A_210 = tpu.memref_slice %arg8[%dma_start3A_207, %dma_start3A_208, %dma_start3A_209] : memref<2x125x128xf32, #tpu.memory_space<vmem>> -> memref<1x125x128xf32, #tpu.memory_space<vmem>>
        %dma_start3A_211 = tpu.memref_squeeze %dma_start3A_210 : memref<1x125x128xf32, #tpu.memory_space<vmem>> -> memref<125x128xf32, #tpu.memory_space<vmem>>
        %dma_start3A_212 = arith.constant 0 : i32
        %dma_start3A_213 = tpu.memref_slice %arg6[%add3A_206, %dma_start3A_212] : memref<40x125xi32, #tpu.memory_space<vmem>> -> memref<1x125xi32, #tpu.memory_space<vmem>>
        %dma_start3A_214 = tpu.memref_squeeze %dma_start3A_213 : memref<1x125xi32, #tpu.memory_space<vmem>> -> memref<125xi32, #tpu.memory_space<vmem>>
        %dma_start3A_215 = arith.constant 0 : i32
        %dma_start3A_216 = arith.constant 0 : i32
        %dma_start3A_217 = tpu.memref_slice %arg2[%dma_start3A_215, %dma_start3A_216] : memref<10000x128xf32, #tpu.memory_space<hbm>> -> memref<10000x128xf32, #tpu.memory_space<hbm>>
        tpu.enqueue_indirect_dma source(%dma_start3A_217 : memref<10000x128xf32, #tpu.memory_space<hbm>>) target(%dma_start3A_211 : memref<125x128xf32, #tpu.memory_space<vmem>>) offsets(%dma_start3A_214 : memref<125xi32, #tpu.memory_space<vmem>>) semaphore(%arg13 : memref<!tpu.dma_semaphore, #tpu.memory_space<semaphore_mem>>)
      } else {
      }
      %mul3A_182 = arith.constant 2 : i32
      %mul3A_183 = arith.muli %mul3A_182, %scan3A_160 : i32
      %add3A_184 = arith.constant 1 : i32
      %add3A_185 = arith.addi %mul3A_183, %add3A_184 : i32
      %dma_wait3A_186 = arith.constant 1 : i32
      %dma_wait3A_187 = arith.constant 0 : i32
      %dma_wait3A_188 = arith.constant 0 : i32
      %dma_wait3A_189 = tpu.memref_slice %arg8[%dma_wait3A_186, %dma_wait3A_187, %dma_wait3A_188] : memref<2x125x128xf32, #tpu.memory_space<vmem>> -> memref<1x125x128xf32, #tpu.memory_space<vmem>>
      %dma_wait3A_190 = tpu.memref_squeeze %dma_wait3A_189 : memref<1x125x128xf32, #tpu.memory_space<vmem>> -> memref<125x128xf32, #tpu.memory_space<vmem>>
      %dma_wait3A_191 = arith.constant 0 : i32
      %dma_wait3A_192 = tpu.memref_slice %arg6[%add3A_185, %dma_wait3A_191] : memref<40x125xi32, #tpu.memory_space<vmem>> -> memref<1x125xi32, #tpu.memory_space<vmem>>
      %dma_wait3A_193 = tpu.memref_squeeze %dma_wait3A_192 : memref<1x125xi32, #tpu.memory_space<vmem>> -> memref<125xi32, #tpu.memory_space<vmem>>
      %dma_wait3A_194 = arith.constant 0 : i32
      %dma_wait3A_195 = arith.constant 0 : i32
      %dma_wait3A_196 = tpu.memref_slice %arg2[%dma_wait3A_194, %dma_wait3A_195] : memref<10000x128xf32, #tpu.memory_space<hbm>> -> memref<10000x128xf32, #tpu.memory_space<hbm>>
      tpu.wait_indirect_dma semaphore(%arg14 : memref<!tpu.dma_semaphore, #tpu.memory_space<semaphore_mem>>) src(%dma_wait3A_196 : memref<10000x128xf32, #tpu.memory_space<hbm>>) dst(%dma_wait3A_190 : memref<125x128xf32, #tpu.memory_space<vmem>>)
      %run_scoped3A_197 = arith.constant 1 : i32
      "tpu.region"() ({
        %run_scoped3A_205 = tpu.sem_alloc : memref<!tpu.dma_semaphore, #tpu.memory_space<semaphore_mem>>
        %dma_start3A_206 = arith.constant 0 : i32
        %dma_start3A_207 = arith.constant 0 : i32
        %dma_start3A_208 = tpu.memref_slice %arg8[%run_scoped3A_197, %dma_start3A_206, %dma_start3A_207] : memref<2x125x128xf32, #tpu.memory_space<vmem>> -> memref<1x125x128xf32, #tpu.memory_space<vmem>>
        %dma_start3A_209 = tpu.memref_squeeze %dma_start3A_208 : memref<1x125x128xf32, #tpu.memory_space<vmem>> -> memref<125x128xf32, #tpu.memory_space<vmem>>
        %dma_start3A_210 = arith.constant 0 : i32
        %dma_start3A_211 = tpu.memref_slice %arg7[%add3A_185, %dma_start3A_210] : memref<40x125xi32, #tpu.memory_space<vmem>> -> memref<1x125xi32, #tpu.memory_space<vmem>>
        %dma_start3A_212 = tpu.memref_squeeze %dma_start3A_211 : memref<1x125xi32, #tpu.memory_space<vmem>> -> memref<125xi32, #tpu.memory_space<vmem>>
        %dma_start3A_213 = arith.constant 0 : i32
        %dma_start3A_214 = arith.constant 0 : i32
        %dma_start3A_215 = tpu.memref_slice %arg11[%dma_start3A_213, %dma_start3A_214] : memref<10000x128xf32, #tpu.memory_space<vmem_shared>> -> memref<10000x128xf32, #tpu.memory_space<vmem_shared>>
        tpu.enqueue_indirect_dma source(%dma_start3A_209 : memref<125x128xf32, #tpu.memory_space<vmem>>) target(%dma_start3A_215 : memref<10000x128xf32, #tpu.memory_space<vmem_shared>>) offsets(%dma_start3A_212 : memref<125xi32, #tpu.memory_space<vmem>>) semaphore(%run_scoped3A_205 : memref<!tpu.dma_semaphore, #tpu.memory_space<semaphore_mem>>) {add = true}
        %dma_wait3A_216 = arith.constant 0 : i32
        %dma_wait3A_217 = arith.constant 0 : i32
        %dma_wait3A_218 = tpu.memref_slice %arg8[%run_scoped3A_197, %dma_wait3A_216, %dma_wait3A_217] : memref<2x125x128xf32, #tpu.memory_space<vmem>> -> memref<1x125x128xf32, #tpu.memory_space<vmem>>
        %dma_wait3A_219 = tpu.memref_squeeze %dma_wait3A_218 : memref<1x125x128xf32, #tpu.memory_space<vmem>> -> memref<125x128xf32, #tpu.memory_space<vmem>>
        %dma_wait3A_220 = arith.constant 0 : i32
        %dma_wait3A_221 = tpu.memref_slice %arg7[%add3A_185, %dma_wait3A_220] : memref<40x125xi32, #tpu.memory_space<vmem>> -> memref<1x125xi32, #tpu.memory_space<vmem>>
        %dma_wait3A_222 = tpu.memref_squeeze %dma_wait3A_221 : memref<1x125xi32, #tpu.memory_space<vmem>> -> memref<125xi32, #tpu.memory_space<vmem>>
        %dma_wait3A_223 = arith.constant 0 : i32
        %dma_wait3A_224 = arith.constant 0 : i32
        %dma_wait3A_225 = tpu.memref_slice %arg11[%dma_wait3A_223, %dma_wait3A_224] : memref<10000x128xf32, #tpu.memory_space<vmem_shared>> -> memref<10000x128xf32, #tpu.memory_space<vmem_shared>>
        tpu.wait_indirect_dma semaphore(%run_scoped3A_205 : memref<!tpu.dma_semaphore, #tpu.memory_space<semaphore_mem>>) src(%dma_wait3A_219 : memref<125x128xf32, #tpu.memory_space<vmem>>) dst(%dma_wait3A_225 : memref<10000x128xf32, #tpu.memory_space<vmem_shared>>)
        tpu.yield
      }) : () -> ()
      "tpu.region"() ({
        %run_scoped3A_205 = tpu.sem_alloc : memref<!tpu.dma_semaphore, #tpu.memory_space<semaphore_mem>>
        %dma_start3A_206 = arith.constant 0 : i32
        %dma_start3A_207 = tpu.memref_slice %arg9[%dma_start3A_206] : memref<128xf32, #tpu.memory_space<vmem>> -> memref<125xf32, #tpu.memory_space<vmem>>
        %dma_start3A_208 = arith.constant 0 : i32
        %dma_start3A_209 = tpu.memref_slice %arg7[%add3A_185, %dma_start3A_208] : memref<40x125xi32, #tpu.memory_space<vmem>> -> memref<1x125xi32, #tpu.memory_space<vmem>>
        %dma_start3A_210 = tpu.memref_squeeze %dma_start3A_209 : memref<1x125xi32, #tpu.memory_space<vmem>> -> memref<125xi32, #tpu.memory_space<vmem>>
        %dma_start3A_211 = arith.constant 0 : i32
        %dma_start3A_212 = tpu.memref_slice %arg12[%dma_start3A_211] : memref<10240xf32, #tpu.memory_space<vmem_shared>> -> memref<10240xf32, #tpu.memory_space<vmem_shared>>
        tpu.enqueue_indirect_dma source(%dma_start3A_207 : memref<125xf32, #tpu.memory_space<vmem>>) target(%dma_start3A_212 : memref<10240xf32, #tpu.memory_space<vmem_shared>>) offsets(%dma_start3A_210 : memref<125xi32, #tpu.memory_space<vmem>>) semaphore(%run_scoped3A_205 : memref<!tpu.dma_semaphore, #tpu.memory_space<semaphore_mem>>) {add = true}
        %dma_wait3A_213 = arith.constant 0 : i32
        %dma_wait3A_214 = tpu.memref_slice %arg9[%dma_wait3A_213] : memref<128xf32, #tpu.memory_space<vmem>> -> memref<125xf32, #tpu.memory_space<vmem>>
        %dma_wait3A_215 = arith.constant 0 : i32
        %dma_wait3A_216 = tpu.memref_slice %arg7[%add3A_185, %dma_wait3A_215] : memref<40x125xi32, #tpu.memory_space<vmem>> -> memref<1x125xi32, #tpu.memory_space<vmem>>
        %dma_wait3A_217 = tpu.memref_squeeze %dma_wait3A_216 : memref<1x125xi32, #tpu.memory_space<vmem>> -> memref<125xi32, #tpu.memory_space<vmem>>
        %dma_wait3A_218 = arith.constant 0 : i32
        %dma_wait3A_219 = tpu.memref_slice %arg12[%dma_wait3A_218] : memref<10240xf32, #tpu.memory_space<vmem_shared>> -> memref<10240xf32, #tpu.memory_space<vmem_shared>>
        tpu.wait_indirect_dma semaphore(%run_scoped3A_205 : memref<!tpu.dma_semaphore, #tpu.memory_space<semaphore_mem>>) src(%dma_wait3A_214 : memref<125xf32, #tpu.memory_space<vmem>>) dst(%dma_wait3A_219 : memref<10240xf32, #tpu.memory_space<vmem_shared>>)
        tpu.yield
      }) : () -> ()
      %add3A_198 = arith.constant 2 : i32
      %add3A_199 = arith.addi %add3A_185, %add3A_198 : i32
      %lt3A_200 = arith.constant 40 : i32
      %lt3A_201 = arith.cmpi slt, %add3A_199, %lt3A_200 : i32
      %convert_element_type3A_202 = arith.extui %lt3A_201 : i1 to i32
      %cond3A_203 = arith.constant 0 : i32
      %cond3A_204 = arith.cmpi ne, %convert_element_type3A_202, %cond3A_203 : i32
      scf.if %cond3A_204 {
        %add3A_205 = arith.constant 2 : i32
        %add3A_206 = arith.addi %add3A_185, %add3A_205 : i32
        %dma_start3A_207 = arith.constant 1 : i32
        %dma_start3A_208 = arith.constant 0 : i32
        %dma_start3A_209 = arith.constant 0 : i32
        %dma_start3A_210 = tpu.memref_slice %arg8[%dma_start3A_207, %dma_start3A_208, %dma_start3A_209] : memref<2x125x128xf32, #tpu.memory_space<vmem>> -> memref<1x125x128xf32, #tpu.memory_space<vmem>>
        %dma_start3A_211 = tpu.memref_squeeze %dma_start3A_210 : memref<1x125x128xf32, #tpu.memory_space<vmem>> -> memref<125x128xf32, #tpu.memory_space<vmem>>
        %dma_start3A_212 = arith.constant 0 : i32
        %dma_start3A_213 = tpu.memref_slice %arg6[%add3A_206, %dma_start3A_212] : memref<40x125xi32, #tpu.memory_space<vmem>> -> memref<1x125xi32, #tpu.memory_space<vmem>>
        %dma_start3A_214 = tpu.memref_squeeze %dma_start3A_213 : memref<1x125xi32, #tpu.memory_space<vmem>> -> memref<125xi32, #tpu.memory_space<vmem>>
        %dma_start3A_215 = arith.constant 0 : i32
        %dma_start3A_216 = arith.constant 0 : i32
        %dma_start3A_217 = tpu.memref_slice %arg2[%dma_start3A_215, %dma_start3A_216] : memref<10000x128xf32, #tpu.memory_space<hbm>> -> memref<10000x128xf32, #tpu.memory_space<hbm>>
        tpu.enqueue_indirect_dma source(%dma_start3A_217 : memref<10000x128xf32, #tpu.memory_space<hbm>>) target(%dma_start3A_211 : memref<125x128xf32, #tpu.memory_space<vmem>>) offsets(%dma_start3A_214 : memref<125xi32, #tpu.memory_space<vmem>>) semaphore(%arg14 : memref<!tpu.dma_semaphore, #tpu.memory_space<semaphore_mem>>)
      } else {
      }
    }
    %scan3A_114 = arith.constant 20 : i32
    %run_scoped3A_115 = arith.constant 0 : i32
    "tpu.region"() ({
      %run_scoped3A_160 = tpu.sem_alloc : memref<!tpu.dma_semaphore, #tpu.memory_space<semaphore_mem>>
      %dma_start3A_161 = arith.constant 40 : i32
      %dma_start3A_162 = arith.constant 0 : i32
      %dma_start3A_163 = tpu.memref_slice %arg3[%run_scoped3A_115, %add3A, %dma_start3A_161, %dma_start3A_162] : memref<2x32x80x125xi32, #tpu.memory_space<hbm>> -> memref<1x1x40x125xi32, #tpu.memory_space<hbm>>
      %dma_start3A_164 = tpu.memref_squeeze %dma_start3A_163 : memref<1x1x40x125xi32, #tpu.memory_space<hbm>> -> memref<40x125xi32, #tpu.memory_space<hbm>>
      %dma_start3A_165 = arith.constant 40 : i32
      %dma_start3A_166 = arith.constant 0 : i32
      %dma_start3A_167 = tpu.memref_slice %arg3[%run_scoped3A_115, %add3A, %dma_start3A_165, %dma_start3A_166] : memref<2x32x80x125xi32, #tpu.memory_space<hbm>> -> memref<1x1x40x125xi32, #tpu.memory_space<hbm>>
      %dma_start3A_168 = tpu.memref_squeeze %dma_start3A_167 : memref<1x1x40x125xi32, #tpu.memory_space<hbm>> -> memref<40x125xi32, #tpu.memory_space<hbm>>
      tpu.enqueue_dma source(%dma_start3A_168 : memref<40x125xi32, #tpu.memory_space<hbm>>) target(%arg6 : memref<40x125xi32, #tpu.memory_space<vmem>>) target_semaphore(%run_scoped3A_160 : memref<!tpu.dma_semaphore, #tpu.memory_space<semaphore_mem>>)
      %dma_wait3A = arith.constant 40 : i32
      %dma_wait3A_169 = arith.constant 0 : i32
      %dma_wait3A_170 = tpu.memref_slice %arg3[%run_scoped3A_115, %add3A, %dma_wait3A, %dma_wait3A_169] : memref<2x32x80x125xi32, #tpu.memory_space<hbm>> -> memref<1x1x40x125xi32, #tpu.memory_space<hbm>>
      %dma_wait3A_171 = tpu.memref_squeeze %dma_wait3A_170 : memref<1x1x40x125xi32, #tpu.memory_space<hbm>> -> memref<40x125xi32, #tpu.memory_space<hbm>>
      %dma_wait3A_172 = arith.constant 40 : i32
      %dma_wait3A_173 = arith.constant 0 : i32
      %dma_wait3A_174 = tpu.memref_slice %arg3[%run_scoped3A_115, %add3A, %dma_wait3A_172, %dma_wait3A_173] : memref<2x32x80x125xi32, #tpu.memory_space<hbm>> -> memref<1x1x40x125xi32, #tpu.memory_space<hbm>>
      %dma_wait3A_175 = tpu.memref_squeeze %dma_wait3A_174 : memref<1x1x40x125xi32, #tpu.memory_space<hbm>> -> memref<40x125xi32, #tpu.memory_space<hbm>>
      tpu.wait_dma2 semaphore(%run_scoped3A_160 : memref<!tpu.dma_semaphore, #tpu.memory_space<semaphore_mem>>) src(%dma_wait3A_175 : memref<40x125xi32, #tpu.memory_space<hbm>>) dst(%arg6 : memref<40x125xi32, #tpu.memory_space<vmem>>)
      tpu.yield
    }) : () -> ()
    %run_scoped3A_116 = arith.constant 1 : i32
    "tpu.region"() ({
      %run_scoped3A_160 = tpu.sem_alloc : memref<!tpu.dma_semaphore, #tpu.memory_space<semaphore_mem>>
      %dma_start3A_161 = arith.constant 40 : i32
      %dma_start3A_162 = arith.constant 0 : i32
      %dma_start3A_163 = tpu.memref_slice %arg3[%run_scoped3A_116, %add3A, %dma_start3A_161, %dma_start3A_162] : memref<2x32x80x125xi32, #tpu.memory_space<hbm>> -> memref<1x1x40x125xi32, #tpu.memory_space<hbm>>
      %dma_start3A_164 = tpu.memref_squeeze %dma_start3A_163 : memref<1x1x40x125xi32, #tpu.memory_space<hbm>> -> memref<40x125xi32, #tpu.memory_space<hbm>>
      %dma_start3A_165 = arith.constant 40 : i32
      %dma_start3A_166 = arith.constant 0 : i32
      %dma_start3A_167 = tpu.memref_slice %arg3[%run_scoped3A_116, %add3A, %dma_start3A_165, %dma_start3A_166] : memref<2x32x80x125xi32, #tpu.memory_space<hbm>> -> memref<1x1x40x125xi32, #tpu.memory_space<hbm>>
      %dma_start3A_168 = tpu.memref_squeeze %dma_start3A_167 : memref<1x1x40x125xi32, #tpu.memory_space<hbm>> -> memref<40x125xi32, #tpu.memory_space<hbm>>
      tpu.enqueue_dma source(%dma_start3A_168 : memref<40x125xi32, #tpu.memory_space<hbm>>) target(%arg7 : memref<40x125xi32, #tpu.memory_space<vmem>>) target_semaphore(%run_scoped3A_160 : memref<!tpu.dma_semaphore, #tpu.memory_space<semaphore_mem>>)
      %dma_wait3A = arith.constant 40 : i32
      %dma_wait3A_169 = arith.constant 0 : i32
      %dma_wait3A_170 = tpu.memref_slice %arg3[%run_scoped3A_116, %add3A, %dma_wait3A, %dma_wait3A_169] : memref<2x32x80x125xi32, #tpu.memory_space<hbm>> -> memref<1x1x40x125xi32, #tpu.memory_space<hbm>>
      %dma_wait3A_171 = tpu.memref_squeeze %dma_wait3A_170 : memref<1x1x40x125xi32, #tpu.memory_space<hbm>> -> memref<40x125xi32, #tpu.memory_space<hbm>>
      %dma_wait3A_172 = arith.constant 40 : i32
      %dma_wait3A_173 = arith.constant 0 : i32
      %dma_wait3A_174 = tpu.memref_slice %arg3[%run_scoped3A_116, %add3A, %dma_wait3A_172, %dma_wait3A_173] : memref<2x32x80x125xi32, #tpu.memory_space<hbm>> -> memref<1x1x40x125xi32, #tpu.memory_space<hbm>>
      %dma_wait3A_175 = tpu.memref_squeeze %dma_wait3A_174 : memref<1x1x40x125xi32, #tpu.memory_space<hbm>> -> memref<40x125xi32, #tpu.memory_space<hbm>>
      tpu.wait_dma2 semaphore(%run_scoped3A_160 : memref<!tpu.dma_semaphore, #tpu.memory_space<semaphore_mem>>) src(%dma_wait3A_175 : memref<40x125xi32, #tpu.memory_space<hbm>>) dst(%arg7 : memref<40x125xi32, #tpu.memory_space<vmem>>)
      tpu.yield
    }) : () -> ()
    %dma_start3A_117 = arith.constant 0 : i32
    %dma_start3A_118 = arith.constant 0 : i32
    %dma_start3A_119 = arith.constant 0 : i32
    %dma_start3A_120 = arith.constant 0 : i32
    %dma_start3A_121 = tpu.memref_slice %arg8[%dma_start3A_118, %dma_start3A_119, %dma_start3A_120] : memref<2x125x128xf32, #tpu.memory_space<vmem>> -> memref<1x125x128xf32, #tpu.memory_space<vmem>>
    %dma_start3A_122 = tpu.memref_squeeze %dma_start3A_121 : memref<1x125x128xf32, #tpu.memory_space<vmem>> -> memref<125x128xf32, #tpu.memory_space<vmem>>
    %dma_start3A_123 = arith.constant 0 : i32
    %dma_start3A_124 = tpu.memref_slice %arg6[%dma_start3A_117, %dma_start3A_123] : memref<40x125xi32, #tpu.memory_space<vmem>> -> memref<1x125xi32, #tpu.memory_space<vmem>>
    %dma_start3A_125 = tpu.memref_squeeze %dma_start3A_124 : memref<1x125xi32, #tpu.memory_space<vmem>> -> memref<125xi32, #tpu.memory_space<vmem>>
    %dma_start3A_126 = arith.constant 0 : i32
    %dma_start3A_127 = arith.constant 0 : i32
    %dma_start3A_128 = tpu.memref_slice %arg2[%dma_start3A_126, %dma_start3A_127] : memref<10000x128xf32, #tpu.memory_space<hbm>> -> memref<10000x128xf32, #tpu.memory_space<hbm>>
    tpu.enqueue_indirect_dma source(%dma_start3A_128 : memref<10000x128xf32, #tpu.memory_space<hbm>>) target(%dma_start3A_122 : memref<125x128xf32, #tpu.memory_space<vmem>>) offsets(%dma_start3A_125 : memref<125xi32, #tpu.memory_space<vmem>>) semaphore(%arg13 : memref<!tpu.dma_semaphore, #tpu.memory_space<semaphore_mem>>)
    %dma_start3A_129 = arith.constant 1 : i32
    %dma_start3A_130 = arith.constant 1 : i32
    %dma_start3A_131 = arith.constant 0 : i32
    %dma_start3A_132 = arith.constant 0 : i32
    %dma_start3A_133 = tpu.memref_slice %arg8[%dma_start3A_130, %dma_start3A_131, %dma_start3A_132] : memref<2x125x128xf32, #tpu.memory_space<vmem>> -> memref<1x125x128xf32, #tpu.memory_space<vmem>>
    %dma_start3A_134 = tpu.memref_squeeze %dma_start3A_133 : memref<1x125x128xf32, #tpu.memory_space<vmem>> -> memref<125x128xf32, #tpu.memory_space<vmem>>
    %dma_start3A_135 = arith.constant 0 : i32
    %dma_start3A_136 = tpu.memref_slice %arg6[%dma_start3A_129, %dma_start3A_135] : memref<40x125xi32, #tpu.memory_space<vmem>> -> memref<1x125xi32, #tpu.memory_space<vmem>>
    %dma_start3A_137 = tpu.memref_squeeze %dma_start3A_136 : memref<1x125xi32, #tpu.memory_space<vmem>> -> memref<125xi32, #tpu.memory_space<vmem>>
    %dma_start3A_138 = arith.constant 0 : i32
    %dma_start3A_139 = arith.constant 0 : i32
    %dma_start3A_140 = tpu.memref_slice %arg2[%dma_start3A_138, %dma_start3A_139] : memref<10000x128xf32, #tpu.memory_space<hbm>> -> memref<10000x128xf32, #tpu.memory_space<hbm>>
    tpu.enqueue_indirect_dma source(%dma_start3A_140 : memref<10000x128xf32, #tpu.memory_space<hbm>>) target(%dma_start3A_134 : memref<125x128xf32, #tpu.memory_space<vmem>>) offsets(%dma_start3A_137 : memref<125xi32, #tpu.memory_space<vmem>>) semaphore(%arg14 : memref<!tpu.dma_semaphore, #tpu.memory_space<semaphore_mem>>)
    %scan3A_141 = arith.constant 0 : i32
    %scan3A_142 = arith.constant 0 : i32
    %scan3A_143 = arith.constant 20 : i32
    %scan3A_144 = arith.addi %scan3A_142, %scan3A_143 : i32
    %scan3A_145 = arith.constant 1 : i32
    scf.for %scan3A_160 = %scan3A_142 to %scan3A_144 step %scan3A_145  : i32 {
      %mul3A_161 = arith.constant 2 : i32
      %mul3A_162 = arith.muli %mul3A_161, %scan3A_160 : i32
      %add3A_163 = arith.constant 0 : i32
      %add3A_164 = arith.addi %mul3A_162, %add3A_163 : i32
      %dma_wait3A = arith.constant 0 : i32
      %dma_wait3A_165 = arith.constant 0 : i32
      %dma_wait3A_166 = arith.constant 0 : i32
      %dma_wait3A_167 = tpu.memref_slice %arg8[%dma_wait3A, %dma_wait3A_165, %dma_wait3A_166] : memref<2x125x128xf32, #tpu.memory_space<vmem>> -> memref<1x125x128xf32, #tpu.memory_space<vmem>>
      %dma_wait3A_168 = tpu.memref_squeeze %dma_wait3A_167 : memref<1x125x128xf32, #tpu.memory_space<vmem>> -> memref<125x128xf32, #tpu.memory_space<vmem>>
      %dma_wait3A_169 = arith.constant 0 : i32
      %dma_wait3A_170 = tpu.memref_slice %arg6[%add3A_164, %dma_wait3A_169] : memref<40x125xi32, #tpu.memory_space<vmem>> -> memref<1x125xi32, #tpu.memory_space<vmem>>
      %dma_wait3A_171 = tpu.memref_squeeze %dma_wait3A_170 : memref<1x125xi32, #tpu.memory_space<vmem>> -> memref<125xi32, #tpu.memory_space<vmem>>
      %dma_wait3A_172 = arith.constant 0 : i32
      %dma_wait3A_173 = arith.constant 0 : i32
      %dma_wait3A_174 = tpu.memref_slice %arg2[%dma_wait3A_172, %dma_wait3A_173] : memref<10000x128xf32, #tpu.memory_space<hbm>> -> memref<10000x128xf32, #tpu.memory_space<hbm>>
      tpu.wait_indirect_dma semaphore(%arg13 : memref<!tpu.dma_semaphore, #tpu.memory_space<semaphore_mem>>) src(%dma_wait3A_174 : memref<10000x128xf32, #tpu.memory_space<hbm>>) dst(%dma_wait3A_168 : memref<125x128xf32, #tpu.memory_space<vmem>>)
      %run_scoped3A_175 = arith.constant 0 : i32
      "tpu.region"() ({
        %run_scoped3A_205 = tpu.sem_alloc : memref<!tpu.dma_semaphore, #tpu.memory_space<semaphore_mem>>
        %dma_start3A_206 = arith.constant 0 : i32
        %dma_start3A_207 = arith.constant 0 : i32
        %dma_start3A_208 = tpu.memref_slice %arg8[%run_scoped3A_175, %dma_start3A_206, %dma_start3A_207] : memref<2x125x128xf32, #tpu.memory_space<vmem>> -> memref<1x125x128xf32, #tpu.memory_space<vmem>>
        %dma_start3A_209 = tpu.memref_squeeze %dma_start3A_208 : memref<1x125x128xf32, #tpu.memory_space<vmem>> -> memref<125x128xf32, #tpu.memory_space<vmem>>
        %dma_start3A_210 = arith.constant 0 : i32
        %dma_start3A_211 = tpu.memref_slice %arg7[%add3A_164, %dma_start3A_210] : memref<40x125xi32, #tpu.memory_space<vmem>> -> memref<1x125xi32, #tpu.memory_space<vmem>>
        %dma_start3A_212 = tpu.memref_squeeze %dma_start3A_211 : memref<1x125xi32, #tpu.memory_space<vmem>> -> memref<125xi32, #tpu.memory_space<vmem>>
        %dma_start3A_213 = arith.constant 0 : i32
        %dma_start3A_214 = arith.constant 0 : i32
        %dma_start3A_215 = tpu.memref_slice %arg11[%dma_start3A_213, %dma_start3A_214] : memref<10000x128xf32, #tpu.memory_space<vmem_shared>> -> memref<10000x128xf32, #tpu.memory_space<vmem_shared>>
        tpu.enqueue_indirect_dma source(%dma_start3A_209 : memref<125x128xf32, #tpu.memory_space<vmem>>) target(%dma_start3A_215 : memref<10000x128xf32, #tpu.memory_space<vmem_shared>>) offsets(%dma_start3A_212 : memref<125xi32, #tpu.memory_space<vmem>>) semaphore(%run_scoped3A_205 : memref<!tpu.dma_semaphore, #tpu.memory_space<semaphore_mem>>) {add = true}
        %dma_wait3A_216 = arith.constant 0 : i32
        %dma_wait3A_217 = arith.constant 0 : i32
        %dma_wait3A_218 = tpu.memref_slice %arg8[%run_scoped3A_175, %dma_wait3A_216, %dma_wait3A_217] : memref<2x125x128xf32, #tpu.memory_space<vmem>> -> memref<1x125x128xf32, #tpu.memory_space<vmem>>
        %dma_wait3A_219 = tpu.memref_squeeze %dma_wait3A_218 : memref<1x125x128xf32, #tpu.memory_space<vmem>> -> memref<125x128xf32, #tpu.memory_space<vmem>>
        %dma_wait3A_220 = arith.constant 0 : i32
        %dma_wait3A_221 = tpu.memref_slice %arg7[%add3A_164, %dma_wait3A_220] : memref<40x125xi32, #tpu.memory_space<vmem>> -> memref<1x125xi32, #tpu.memory_space<vmem>>
        %dma_wait3A_222 = tpu.memref_squeeze %dma_wait3A_221 : memref<1x125xi32, #tpu.memory_space<vmem>> -> memref<125xi32, #tpu.memory_space<vmem>>
        %dma_wait3A_223 = arith.constant 0 : i32
        %dma_wait3A_224 = arith.constant 0 : i32
        %dma_wait3A_225 = tpu.memref_slice %arg11[%dma_wait3A_223, %dma_wait3A_224] : memref<10000x128xf32, #tpu.memory_space<vmem_shared>> -> memref<10000x128xf32, #tpu.memory_space<vmem_shared>>
        tpu.wait_indirect_dma semaphore(%run_scoped3A_205 : memref<!tpu.dma_semaphore, #tpu.memory_space<semaphore_mem>>) src(%dma_wait3A_219 : memref<125x128xf32, #tpu.memory_space<vmem>>) dst(%dma_wait3A_225 : memref<10000x128xf32, #tpu.memory_space<vmem_shared>>)
        tpu.yield
      }) : () -> ()
      "tpu.region"() ({
        %run_scoped3A_205 = tpu.sem_alloc : memref<!tpu.dma_semaphore, #tpu.memory_space<semaphore_mem>>
        %dma_start3A_206 = arith.constant 0 : i32
        %dma_start3A_207 = tpu.memref_slice %arg9[%dma_start3A_206] : memref<128xf32, #tpu.memory_space<vmem>> -> memref<125xf32, #tpu.memory_space<vmem>>
        %dma_start3A_208 = arith.constant 0 : i32
        %dma_start3A_209 = tpu.memref_slice %arg7[%add3A_164, %dma_start3A_208] : memref<40x125xi32, #tpu.memory_space<vmem>> -> memref<1x125xi32, #tpu.memory_space<vmem>>
        %dma_start3A_210 = tpu.memref_squeeze %dma_start3A_209 : memref<1x125xi32, #tpu.memory_space<vmem>> -> memref<125xi32, #tpu.memory_space<vmem>>
        %dma_start3A_211 = arith.constant 0 : i32
        %dma_start3A_212 = tpu.memref_slice %arg12[%dma_start3A_211] : memref<10240xf32, #tpu.memory_space<vmem_shared>> -> memref<10240xf32, #tpu.memory_space<vmem_shared>>
        tpu.enqueue_indirect_dma source(%dma_start3A_207 : memref<125xf32, #tpu.memory_space<vmem>>) target(%dma_start3A_212 : memref<10240xf32, #tpu.memory_space<vmem_shared>>) offsets(%dma_start3A_210 : memref<125xi32, #tpu.memory_space<vmem>>) semaphore(%run_scoped3A_205 : memref<!tpu.dma_semaphore, #tpu.memory_space<semaphore_mem>>) {add = true}
        %dma_wait3A_213 = arith.constant 0 : i32
        %dma_wait3A_214 = tpu.memref_slice %arg9[%dma_wait3A_213] : memref<128xf32, #tpu.memory_space<vmem>> -> memref<125xf32, #tpu.memory_space<vmem>>
        %dma_wait3A_215 = arith.constant 0 : i32
        %dma_wait3A_216 = tpu.memref_slice %arg7[%add3A_164, %dma_wait3A_215] : memref<40x125xi32, #tpu.memory_space<vmem>> -> memref<1x125xi32, #tpu.memory_space<vmem>>
        %dma_wait3A_217 = tpu.memref_squeeze %dma_wait3A_216 : memref<1x125xi32, #tpu.memory_space<vmem>> -> memref<125xi32, #tpu.memory_space<vmem>>
        %dma_wait3A_218 = arith.constant 0 : i32
        %dma_wait3A_219 = tpu.memref_slice %arg12[%dma_wait3A_218] : memref<10240xf32, #tpu.memory_space<vmem_shared>> -> memref<10240xf32, #tpu.memory_space<vmem_shared>>
        tpu.wait_indirect_dma semaphore(%run_scoped3A_205 : memref<!tpu.dma_semaphore, #tpu.memory_space<semaphore_mem>>) src(%dma_wait3A_214 : memref<125xf32, #tpu.memory_space<vmem>>) dst(%dma_wait3A_219 : memref<10240xf32, #tpu.memory_space<vmem_shared>>)
        tpu.yield
      }) : () -> ()
      %add3A_176 = arith.constant 2 : i32
      %add3A_177 = arith.addi %add3A_164, %add3A_176 : i32
      %lt3A = arith.constant 40 : i32
      %lt3A_178 = arith.cmpi slt, %add3A_177, %lt3A : i32
      %convert_element_type3A_179 = arith.extui %lt3A_178 : i1 to i32
      %cond3A_180 = arith.constant 0 : i32
      %cond3A_181 = arith.cmpi ne, %convert_element_type3A_179, %cond3A_180 : i32
      scf.if %cond3A_181 {
        %add3A_205 = arith.constant 2 : i32
        %add3A_206 = arith.addi %add3A_164, %add3A_205 : i32
        %dma_start3A_207 = arith.constant 0 : i32
        %dma_start3A_208 = arith.constant 0 : i32
        %dma_start3A_209 = arith.constant 0 : i32
        %dma_start3A_210 = tpu.memref_slice %arg8[%dma_start3A_207, %dma_start3A_208, %dma_start3A_209] : memref<2x125x128xf32, #tpu.memory_space<vmem>> -> memref<1x125x128xf32, #tpu.memory_space<vmem>>
        %dma_start3A_211 = tpu.memref_squeeze %dma_start3A_210 : memref<1x125x128xf32, #tpu.memory_space<vmem>> -> memref<125x128xf32, #tpu.memory_space<vmem>>
        %dma_start3A_212 = arith.constant 0 : i32
        %dma_start3A_213 = tpu.memref_slice %arg6[%add3A_206, %dma_start3A_212] : memref<40x125xi32, #tpu.memory_space<vmem>> -> memref<1x125xi32, #tpu.memory_space<vmem>>
        %dma_start3A_214 = tpu.memref_squeeze %dma_start3A_213 : memref<1x125xi32, #tpu.memory_space<vmem>> -> memref<125xi32, #tpu.memory_space<vmem>>
        %dma_start3A_215 = arith.constant 0 : i32
        %dma_start3A_216 = arith.constant 0 : i32
        %dma_start3A_217 = tpu.memref_slice %arg2[%dma_start3A_215, %dma_start3A_216] : memref<10000x128xf32, #tpu.memory_space<hbm>> -> memref<10000x128xf32, #tpu.memory_space<hbm>>
        tpu.enqueue_indirect_dma source(%dma_start3A_217 : memref<10000x128xf32, #tpu.memory_space<hbm>>) target(%dma_start3A_211 : memref<125x128xf32, #tpu.memory_space<vmem>>) offsets(%dma_start3A_214 : memref<125xi32, #tpu.memory_space<vmem>>) semaphore(%arg13 : memref<!tpu.dma_semaphore, #tpu.memory_space<semaphore_mem>>)
      } else {
      }
      %mul3A_182 = arith.constant 2 : i32
      %mul3A_183 = arith.muli %mul3A_182, %scan3A_160 : i32
      %add3A_184 = arith.constant 1 : i32
      %add3A_185 = arith.addi %mul3A_183, %add3A_184 : i32
      %dma_wait3A_186 = arith.constant 1 : i32
      %dma_wait3A_187 = arith.constant 0 : i32
      %dma_wait3A_188 = arith.constant 0 : i32
      %dma_wait3A_189 = tpu.memref_slice %arg8[%dma_wait3A_186, %dma_wait3A_187, %dma_wait3A_188] : memref<2x125x128xf32, #tpu.memory_space<vmem>> -> memref<1x125x128xf32, #tpu.memory_space<vmem>>
      %dma_wait3A_190 = tpu.memref_squeeze %dma_wait3A_189 : memref<1x125x128xf32, #tpu.memory_space<vmem>> -> memref<125x128xf32, #tpu.memory_space<vmem>>
      %dma_wait3A_191 = arith.constant 0 : i32
      %dma_wait3A_192 = tpu.memref_slice %arg6[%add3A_185, %dma_wait3A_191] : memref<40x125xi32, #tpu.memory_space<vmem>> -> memref<1x125xi32, #tpu.memory_space<vmem>>
      %dma_wait3A_193 = tpu.memref_squeeze %dma_wait3A_192 : memref<1x125xi32, #tpu.memory_space<vmem>> -> memref<125xi32, #tpu.memory_space<vmem>>
      %dma_wait3A_194 = arith.constant 0 : i32
      %dma_wait3A_195 = arith.constant 0 : i32
      %dma_wait3A_196 = tpu.memref_slice %arg2[%dma_wait3A_194, %dma_wait3A_195] : memref<10000x128xf32, #tpu.memory_space<hbm>> -> memref<10000x128xf32, #tpu.memory_space<hbm>>
      tpu.wait_indirect_dma semaphore(%arg14 : memref<!tpu.dma_semaphore, #tpu.memory_space<semaphore_mem>>) src(%dma_wait3A_196 : memref<10000x128xf32, #tpu.memory_space<hbm>>) dst(%dma_wait3A_190 : memref<125x128xf32, #tpu.memory_space<vmem>>)
      %run_scoped3A_197 = arith.constant 1 : i32
      "tpu.region"() ({
        %run_scoped3A_205 = tpu.sem_alloc : memref<!tpu.dma_semaphore, #tpu.memory_space<semaphore_mem>>
        %dma_start3A_206 = arith.constant 0 : i32
        %dma_start3A_207 = arith.constant 0 : i32
        %dma_start3A_208 = tpu.memref_slice %arg8[%run_scoped3A_197, %dma_start3A_206, %dma_start3A_207] : memref<2x125x128xf32, #tpu.memory_space<vmem>> -> memref<1x125x128xf32, #tpu.memory_space<vmem>>
        %dma_start3A_209 = tpu.memref_squeeze %dma_start3A_208 : memref<1x125x128xf32, #tpu.memory_space<vmem>> -> memref<125x128xf32, #tpu.memory_space<vmem>>
        %dma_start3A_210 = arith.constant 0 : i32
        %dma_start3A_211 = tpu.memref_slice %arg7[%add3A_185, %dma_start3A_210] : memref<40x125xi32, #tpu.memory_space<vmem>> -> memref<1x125xi32, #tpu.memory_space<vmem>>
        %dma_start3A_212 = tpu.memref_squeeze %dma_start3A_211 : memref<1x125xi32, #tpu.memory_space<vmem>> -> memref<125xi32, #tpu.memory_space<vmem>>
        %dma_start3A_213 = arith.constant 0 : i32
        %dma_start3A_214 = arith.constant 0 : i32
        %dma_start3A_215 = tpu.memref_slice %arg11[%dma_start3A_213, %dma_start3A_214] : memref<10000x128xf32, #tpu.memory_space<vmem_shared>> -> memref<10000x128xf32, #tpu.memory_space<vmem_shared>>
        tpu.enqueue_indirect_dma source(%dma_start3A_209 : memref<125x128xf32, #tpu.memory_space<vmem>>) target(%dma_start3A_215 : memref<10000x128xf32, #tpu.memory_space<vmem_shared>>) offsets(%dma_start3A_212 : memref<125xi32, #tpu.memory_space<vmem>>) semaphore(%run_scoped3A_205 : memref<!tpu.dma_semaphore, #tpu.memory_space<semaphore_mem>>) {add = true}
        %dma_wait3A_216 = arith.constant 0 : i32
        %dma_wait3A_217 = arith.constant 0 : i32
        %dma_wait3A_218 = tpu.memref_slice %arg8[%run_scoped3A_197, %dma_wait3A_216, %dma_wait3A_217] : memref<2x125x128xf32, #tpu.memory_space<vmem>> -> memref<1x125x128xf32, #tpu.memory_space<vmem>>
        %dma_wait3A_219 = tpu.memref_squeeze %dma_wait3A_218 : memref<1x125x128xf32, #tpu.memory_space<vmem>> -> memref<125x128xf32, #tpu.memory_space<vmem>>
        %dma_wait3A_220 = arith.constant 0 : i32
        %dma_wait3A_221 = tpu.memref_slice %arg7[%add3A_185, %dma_wait3A_220] : memref<40x125xi32, #tpu.memory_space<vmem>> -> memref<1x125xi32, #tpu.memory_space<vmem>>
        %dma_wait3A_222 = tpu.memref_squeeze %dma_wait3A_221 : memref<1x125xi32, #tpu.memory_space<vmem>> -> memref<125xi32, #tpu.memory_space<vmem>>
        %dma_wait3A_223 = arith.constant 0 : i32
        %dma_wait3A_224 = arith.constant 0 : i32
        %dma_wait3A_225 = tpu.memref_slice %arg11[%dma_wait3A_223, %dma_wait3A_224] : memref<10000x128xf32, #tpu.memory_space<vmem_shared>> -> memref<10000x128xf32, #tpu.memory_space<vmem_shared>>
        tpu.wait_indirect_dma semaphore(%run_scoped3A_205 : memref<!tpu.dma_semaphore, #tpu.memory_space<semaphore_mem>>) src(%dma_wait3A_219 : memref<125x128xf32, #tpu.memory_space<vmem>>) dst(%dma_wait3A_225 : memref<10000x128xf32, #tpu.memory_space<vmem_shared>>)
        tpu.yield
      }) : () -> ()
      "tpu.region"() ({
        %run_scoped3A_205 = tpu.sem_alloc : memref<!tpu.dma_semaphore, #tpu.memory_space<semaphore_mem>>
        %dma_start3A_206 = arith.constant 0 : i32
        %dma_start3A_207 = tpu.memref_slice %arg9[%dma_start3A_206] : memref<128xf32, #tpu.memory_space<vmem>> -> memref<125xf32, #tpu.memory_space<vmem>>
        %dma_start3A_208 = arith.constant 0 : i32
        %dma_start3A_209 = tpu.memref_slice %arg7[%add3A_185, %dma_start3A_208] : memref<40x125xi32, #tpu.memory_space<vmem>> -> memref<1x125xi32, #tpu.memory_space<vmem>>
        %dma_start3A_210 = tpu.memref_squeeze %dma_start3A_209 : memref<1x125xi32, #tpu.memory_space<vmem>> -> memref<125xi32, #tpu.memory_space<vmem>>
        %dma_start3A_211 = arith.constant 0 : i32
        %dma_start3A_212 = tpu.memref_slice %arg12[%dma_start3A_211] : memref<10240xf32, #tpu.memory_space<vmem_shared>> -> memref<10240xf32, #tpu.memory_space<vmem_shared>>
        tpu.enqueue_indirect_dma source(%dma_start3A_207 : memref<125xf32, #tpu.memory_space<vmem>>) target(%dma_start3A_212 : memref<10240xf32, #tpu.memory_space<vmem_shared>>) offsets(%dma_start3A_210 : memref<125xi32, #tpu.memory_space<vmem>>) semaphore(%run_scoped3A_205 : memref<!tpu.dma_semaphore, #tpu.memory_space<semaphore_mem>>) {add = true}
        %dma_wait3A_213 = arith.constant 0 : i32
        %dma_wait3A_214 = tpu.memref_slice %arg9[%dma_wait3A_213] : memref<128xf32, #tpu.memory_space<vmem>> -> memref<125xf32, #tpu.memory_space<vmem>>
        %dma_wait3A_215 = arith.constant 0 : i32
        %dma_wait3A_216 = tpu.memref_slice %arg7[%add3A_185, %dma_wait3A_215] : memref<40x125xi32, #tpu.memory_space<vmem>> -> memref<1x125xi32, #tpu.memory_space<vmem>>
        %dma_wait3A_217 = tpu.memref_squeeze %dma_wait3A_216 : memref<1x125xi32, #tpu.memory_space<vmem>> -> memref<125xi32, #tpu.memory_space<vmem>>
        %dma_wait3A_218 = arith.constant 0 : i32
        %dma_wait3A_219 = tpu.memref_slice %arg12[%dma_wait3A_218] : memref<10240xf32, #tpu.memory_space<vmem_shared>> -> memref<10240xf32, #tpu.memory_space<vmem_shared>>
        tpu.wait_indirect_dma semaphore(%run_scoped3A_205 : memref<!tpu.dma_semaphore, #tpu.memory_space<semaphore_mem>>) src(%dma_wait3A_214 : memref<125xf32, #tpu.memory_space<vmem>>) dst(%dma_wait3A_219 : memref<10240xf32, #tpu.memory_space<vmem_shared>>)
        tpu.yield
      }) : () -> ()
      %add3A_198 = arith.constant 2 : i32
      %add3A_199 = arith.addi %add3A_185, %add3A_198 : i32
      %lt3A_200 = arith.constant 40 : i32
      %lt3A_201 = arith.cmpi slt, %add3A_199, %lt3A_200 : i32
      %convert_element_type3A_202 = arith.extui %lt3A_201 : i1 to i32
      %cond3A_203 = arith.constant 0 : i32
      %cond3A_204 = arith.cmpi ne, %convert_element_type3A_202, %cond3A_203 : i32
      scf.if %cond3A_204 {
        %add3A_205 = arith.constant 2 : i32
        %add3A_206 = arith.addi %add3A_185, %add3A_205 : i32
        %dma_start3A_207 = arith.constant 1 : i32
        %dma_start3A_208 = arith.constant 0 : i32
        %dma_start3A_209 = arith.constant 0 : i32
        %dma_start3A_210 = tpu.memref_slice %arg8[%dma_start3A_207, %dma_start3A_208, %dma_start3A_209] : memref<2x125x128xf32, #tpu.memory_space<vmem>> -> memref<1x125x128xf32, #tpu.memory_space<vmem>>
        %dma_start3A_211 = tpu.memref_squeeze %dma_start3A_210 : memref<1x125x128xf32, #tpu.memory_space<vmem>> -> memref<125x128xf32, #tpu.memory_space<vmem>>
        %dma_start3A_212 = arith.constant 0 : i32
        %dma_start3A_213 = tpu.memref_slice %arg6[%add3A_206, %dma_start3A_212] : memref<40x125xi32, #tpu.memory_space<vmem>> -> memref<1x125xi32, #tpu.memory_space<vmem>>
        %dma_start3A_214 = tpu.memref_squeeze %dma_start3A_213 : memref<1x125xi32, #tpu.memory_space<vmem>> -> memref<125xi32, #tpu.memory_space<vmem>>
        %dma_start3A_215 = arith.constant 0 : i32
        %dma_start3A_216 = arith.constant 0 : i32
        %dma_start3A_217 = tpu.memref_slice %arg2[%dma_start3A_215, %dma_start3A_216] : memref<10000x128xf32, #tpu.memory_space<hbm>> -> memref<10000x128xf32, #tpu.memory_space<hbm>>
        tpu.enqueue_indirect_dma source(%dma_start3A_217 : memref<10000x128xf32, #tpu.memory_space<hbm>>) target(%dma_start3A_211 : memref<125x128xf32, #tpu.memory_space<vmem>>) offsets(%dma_start3A_214 : memref<125xi32, #tpu.memory_space<vmem>>) semaphore(%arg14 : memref<!tpu.dma_semaphore, #tpu.memory_space<semaphore_mem>>)
      } else {
      }
    }
    %scan3A_146 = arith.constant 20 : i32
    %barrier3A_147 = arith.constant 0 : index
    tpu.barrier barrier_id(%barrier3A_147)
    "tpu.region"() ({
      %run_scoped3A_160 = tpu.sem_alloc : memref<!tpu.dma_semaphore, #tpu.memory_space<semaphore_mem>>
      %dma_start3A_161 = arith.constant 0 : i32
      %dma_start3A_162 = tpu.memref_slice %arg4[%arg0, %mul3A_61, %dma_start3A_161] : memref<2x10000x128xf32, #tpu.memory_space<hbm>> -> memref<1x624x128xf32, #tpu.memory_space<hbm>>
      %dma_start3A_163 = tpu.memref_squeeze %dma_start3A_162 : memref<1x624x128xf32, #tpu.memory_space<hbm>> -> memref<624x128xf32, #tpu.memory_space<hbm>>
      %dma_start3A_164 = arith.constant 0 : i32
      %dma_start3A_165 = tpu.memref_slice %arg11[%mul3A_61, %dma_start3A_164] : memref<10000x128xf32, #tpu.memory_space<vmem_shared>> -> memref<624x128xf32, #tpu.memory_space<vmem_shared>>
      tpu.enqueue_dma source(%dma_start3A_165 : memref<624x128xf32, #tpu.memory_space<vmem_shared>>) target(%dma_start3A_163 : memref<624x128xf32, #tpu.memory_space<hbm>>) target_semaphore(%run_scoped3A_160 : memref<!tpu.dma_semaphore, #tpu.memory_space<semaphore_mem>>)
      %dma_wait3A = arith.constant 0 : i32
      %dma_wait3A_166 = tpu.memref_slice %arg4[%arg0, %mul3A_61, %dma_wait3A] : memref<2x10000x128xf32, #tpu.memory_space<hbm>> -> memref<1x624x128xf32, #tpu.memory_space<hbm>>
      %dma_wait3A_167 = tpu.memref_squeeze %dma_wait3A_166 : memref<1x624x128xf32, #tpu.memory_space<hbm>> -> memref<624x128xf32, #tpu.memory_space<hbm>>
      %dma_wait3A_168 = arith.constant 0 : i32
      %dma_wait3A_169 = tpu.memref_slice %arg11[%mul3A_61, %dma_wait3A_168] : memref<10000x128xf32, #tpu.memory_space<vmem_shared>> -> memref<624x128xf32, #tpu.memory_space<vmem_shared>>
      tpu.wait_dma2 semaphore(%run_scoped3A_160 : memref<!tpu.dma_semaphore, #tpu.memory_space<semaphore_mem>>) src(%dma_wait3A_169 : memref<624x128xf32, #tpu.memory_space<vmem_shared>>) dst(%dma_wait3A_167 : memref<624x128xf32, #tpu.memory_space<hbm>>)
      tpu.yield
    }) : () -> ()
    %eq3A_148 = arith.constant 15 : i32
    %eq3A_149 = arith.cmpi eq, %arg1, %eq3A_148 : i32
    %convert_element_type3A_150 = arith.extui %eq3A_149 : i1 to i32
    %cond3A_151 = arith.constant 0 : i32
    %cond3A_152 = arith.cmpi ne, %convert_element_type3A_150, %cond3A_151 : i32
    scf.if %cond3A_152 {
      "tpu.region"() ({
        %run_scoped3A_160 = tpu.sem_alloc : memref<!tpu.dma_semaphore, #tpu.memory_space<semaphore_mem>>
        %dma_start3A_161 = arith.constant 9984 : i32
        %dma_start3A_162 = arith.constant 0 : i32
        %dma_start3A_163 = tpu.memref_slice %arg4[%arg0, %dma_start3A_161, %dma_start3A_162] : memref<2x10000x128xf32, #tpu.memory_space<hbm>> -> memref<1x16x128xf32, #tpu.memory_space<hbm>>
        %dma_start3A_164 = tpu.memref_squeeze %dma_start3A_163 : memref<1x16x128xf32, #tpu.memory_space<hbm>> -> memref<16x128xf32, #tpu.memory_space<hbm>>
        %dma_start3A_165 = arith.constant 9984 : i32
        %dma_start3A_166 = arith.constant 0 : i32
        %dma_start3A_167 = tpu.memref_slice %arg11[%dma_start3A_165, %dma_start3A_166] : memref<10000x128xf32, #tpu.memory_space<vmem_shared>> -> memref<16x128xf32, #tpu.memory_space<vmem_shared>>
        tpu.enqueue_dma source(%dma_start3A_167 : memref<16x128xf32, #tpu.memory_space<vmem_shared>>) target(%dma_start3A_164 : memref<16x128xf32, #tpu.memory_space<hbm>>) target_semaphore(%run_scoped3A_160 : memref<!tpu.dma_semaphore, #tpu.memory_space<semaphore_mem>>)
        %dma_wait3A = arith.constant 9984 : i32
        %dma_wait3A_168 = arith.constant 0 : i32
        %dma_wait3A_169 = tpu.memref_slice %arg4[%arg0, %dma_wait3A, %dma_wait3A_168] : memref<2x10000x128xf32, #tpu.memory_space<hbm>> -> memref<1x16x128xf32, #tpu.memory_space<hbm>>
        %dma_wait3A_170 = tpu.memref_squeeze %dma_wait3A_169 : memref<1x16x128xf32, #tpu.memory_space<hbm>> -> memref<16x128xf32, #tpu.memory_space<hbm>>
        %dma_wait3A_171 = arith.constant 9984 : i32
        %dma_wait3A_172 = arith.constant 0 : i32
        %dma_wait3A_173 = tpu.memref_slice %arg11[%dma_wait3A_171, %dma_wait3A_172] : memref<10000x128xf32, #tpu.memory_space<vmem_shared>> -> memref<16x128xf32, #tpu.memory_space<vmem_shared>>
        tpu.wait_dma2 semaphore(%run_scoped3A_160 : memref<!tpu.dma_semaphore, #tpu.memory_space<semaphore_mem>>) src(%dma_wait3A_173 : memref<16x128xf32, #tpu.memory_space<vmem_shared>>) dst(%dma_wait3A_170 : memref<16x128xf32, #tpu.memory_space<hbm>>)
        tpu.yield
      }) : () -> ()
    } else {
    }
    %mul3A_153 = arith.constant 640 : i32
    %mul3A_154 = arith.muli %arg1, %mul3A_153 : i32
    "tpu.region"() ({
      %run_scoped3A_160 = tpu.sem_alloc : memref<!tpu.dma_semaphore, #tpu.memory_space<semaphore_mem>>
      %dma_start3A_161 = tpu.memref_slice %arg12[%mul3A_154] : memref<10240xf32, #tpu.memory_space<vmem_shared>> -> memref<640xf32, #tpu.memory_space<vmem_shared>>
      %dma_start3A_162 = tpu.memref_slice %arg12[%mul3A_154] : memref<10240xf32, #tpu.memory_space<vmem_shared>> -> memref<640xf32, #tpu.memory_space<vmem_shared>>
      tpu.enqueue_dma source(%dma_start3A_162 : memref<640xf32, #tpu.memory_space<vmem_shared>>) target(%arg10 : memref<640xf32, #tpu.memory_space<vmem>>) target_semaphore(%run_scoped3A_160 : memref<!tpu.dma_semaphore, #tpu.memory_space<semaphore_mem>>)
      %dma_wait3A = tpu.memref_slice %arg12[%mul3A_154] : memref<10240xf32, #tpu.memory_space<vmem_shared>> -> memref<640xf32, #tpu.memory_space<vmem_shared>>
      %dma_wait3A_163 = tpu.memref_slice %arg12[%mul3A_154] : memref<10240xf32, #tpu.memory_space<vmem_shared>> -> memref<640xf32, #tpu.memory_space<vmem_shared>>
      tpu.wait_dma2 semaphore(%run_scoped3A_160 : memref<!tpu.dma_semaphore, #tpu.memory_space<semaphore_mem>>) src(%dma_wait3A_163 : memref<640xf32, #tpu.memory_space<vmem_shared>>) dst(%arg10 : memref<640xf32, #tpu.memory_space<vmem>>)
      tpu.yield
    }) : () -> ()
    %mul3A_155 = arith.constant 16 : i32
    %mul3A_156 = arith.muli %arg0, %mul3A_155 : i32
    %add3A_157 = arith.addi %mul3A_156, %arg1 : i32
    %mul3A_158 = arith.constant 640 : i32
    %mul3A_159 = arith.muli %add3A_157, %mul3A_158 : i32
    "tpu.region"() ({
      %run_scoped3A_160 = tpu.sem_alloc : memref<!tpu.dma_semaphore, #tpu.memory_space<semaphore_mem>>
      %dma_start3A_161 = tpu.memref_slice %arg5[%mul3A_159] : memref<20480xf32, #tpu.memory_space<hbm>> -> memref<640xf32, #tpu.memory_space<hbm>>
      %dma_start3A_162 = tpu.memref_slice %arg5[%mul3A_159] : memref<20480xf32, #tpu.memory_space<hbm>> -> memref<640xf32, #tpu.memory_space<hbm>>
      tpu.enqueue_dma source(%arg10 : memref<640xf32, #tpu.memory_space<vmem>>) target(%dma_start3A_162 : memref<640xf32, #tpu.memory_space<hbm>>) target_semaphore(%run_scoped3A_160 : memref<!tpu.dma_semaphore, #tpu.memory_space<semaphore_mem>>)
      %dma_wait3A = tpu.memref_slice %arg5[%mul3A_159] : memref<20480xf32, #tpu.memory_space<hbm>> -> memref<640xf32, #tpu.memory_space<hbm>>
      %dma_wait3A_163 = tpu.memref_slice %arg5[%mul3A_159] : memref<20480xf32, #tpu.memory_space<hbm>> -> memref<640xf32, #tpu.memory_space<hbm>>
      tpu.wait_dma2 semaphore(%run_scoped3A_160 : memref<!tpu.dma_semaphore, #tpu.memory_space<semaphore_mem>>) src(%arg10 : memref<640xf32, #tpu.memory_space<vmem>>) dst(%dma_wait3A_163 : memref<640xf32, #tpu.memory_space<hbm>>)
      tpu.yield
    }) : () -> ()
    return
  }
}

module attributes {stable_mosaic.version = 14 : i64} {
  func.func @_transform_body(%arg0: memref<10000x128xf32, #tpu.memory_space<vmem>>, %arg1: memref<128x128xf32, #tpu.memory_space<vmem>>, %arg2: memref<1x128xf32, #tpu.memory_space<vmem>>, %arg3: memref<10000x128xf32, #tpu.memory_space<vmem>>) attributes {dimension_semantics = [], scalar_prefetch = 0 : i64, scratch_operands = 0 : i64, tpu.core_type = #tpu.core_type<tc>} {
    %get3A = arith.constant 0 : index
    %get3A_0 = arith.constant 0 : index
    %get3A_1 = vector.load %arg1[%get3A, %get3A_0] : memref<128x128xf32, #tpu.memory_space<vmem>>, vector<128x128xf32>
    %get3A_2 = arith.constant 0 : index
    %get3A_3 = arith.constant 0 : index
    %get3A_4 = vector.load %arg2[%get3A_2, %get3A_3] : memref<1x128xf32, #tpu.memory_space<vmem>>, vector<1x128xf32>
    %mul3A = arith.mulf %get3A_1, %get3A_1 : vector<128x128xf32>
    %reduce_sum3A = arith.constant dense<0.000000e+00> : vector<128xf32>
    %reduce_sum3A_5 = vector.multi_reduction <add>, %mul3A, %reduce_sum3A [1] : vector<128x128xf32> to vector<128xf32>
    %broadcast_in_dim3A = vector.shape_cast %reduce_sum3A_5 : vector<128xf32> to vector<128x1xf32>
    %sqrt3A = math.sqrt %broadcast_in_dim3A : vector<128x1xf32>
    %max3A = arith.constant 1.000000e-07 : f32
    %max3A_6 = vector.broadcast %max3A : f32 to vector<128x1xf32>
    %max3A_7 = arith.maximumf %sqrt3A, %max3A_6 : vector<128x1xf32>
    %tanh3A = math.tanh %max3A_7 : vector<128x1xf32>
    %mul3A_8 = vector.broadcast %tanh3A : vector<128x1xf32> to vector<128x128xf32>
    %mul3A_9 = arith.mulf %mul3A_8, %get3A_1 : vector<128x128xf32>
    %div3A = vector.broadcast %max3A_7 : vector<128x1xf32> to vector<128x128xf32>
    %div3A_10 = arith.divf %mul3A_9, %div3A : vector<128x128xf32>
    %mul3A_11 = arith.mulf %get3A_4, %get3A_4 : vector<1x128xf32>
    %reduce_sum3A_12 = arith.constant dense<0.000000e+00> : vector<1xf32>
    %reduce_sum3A_13 = vector.multi_reduction <add>, %mul3A_11, %reduce_sum3A_12 [1] : vector<1x128xf32> to vector<1xf32>
    %broadcast_in_dim3A_14 = vector.shape_cast %reduce_sum3A_13 : vector<1xf32> to vector<1x1xf32>
    %sqrt3A_15 = math.sqrt %broadcast_in_dim3A_14 : vector<1x1xf32>
    %max3A_16 = arith.constant 1.000000e-07 : f32
    %max3A_17 = vector.broadcast %max3A_16 : f32 to vector<1x1xf32>
    %max3A_18 = arith.maximumf %sqrt3A_15, %max3A_17 : vector<1x1xf32>
    %tanh3A_19 = math.tanh %max3A_18 : vector<1x1xf32>
    %mul3A_20 = vector.broadcast %tanh3A_19 : vector<1x1xf32> to vector<1x128xf32>
    %mul3A_21 = arith.mulf %mul3A_20, %get3A_4 : vector<1x128xf32>
    %div3A_22 = vector.broadcast %max3A_18 : vector<1x1xf32> to vector<1x128xf32>
    %div3A_23 = arith.divf %mul3A_21, %div3A_22 : vector<1x128xf32>
    %get3A_24 = arith.constant 0 : index
    %get3A_25 = arith.constant 0 : index
    %get3A_26 = vector.load %arg0[%get3A_24, %get3A_25] : memref<10000x128xf32, #tpu.memory_space<vmem>>, vector<10000x128xf32>
    %mul3A_27 = arith.mulf %get3A_26, %get3A_26 : vector<10000x128xf32>
    %reduce_sum3A_28 = arith.constant dense<0.000000e+00> : vector<10000xf32>
    %reduce_sum3A_29 = vector.multi_reduction <add>, %mul3A_27, %reduce_sum3A_28 [1] : vector<10000x128xf32> to vector<10000xf32>
    %broadcast_in_dim3A_30 = vector.shape_cast %reduce_sum3A_29 : vector<10000xf32> to vector<10000x1xf32>
    %sqrt3A_31 = math.sqrt %broadcast_in_dim3A_30 : vector<10000x1xf32>
    %max3A_32 = arith.constant 1.000000e-07 : f32
    %max3A_33 = vector.broadcast %max3A_32 : f32 to vector<10000x1xf32>
    %max3A_34 = arith.maximumf %sqrt3A_31, %max3A_33 : vector<10000x1xf32>
    %dot_general3A = arith.constant dense<0.000000e+00> : vector<10000x128xf32>
    %dot_general3A_35 = tpu.matmul %get3A_26, %div3A_10, %dot_general3A {dimension_numbers = #tpu.dot_dimension_numbers<[1], [0], [0], [1], [0, 0, 1, 1], [], []>, transpose_lhs_hint = false} : vector<10000x128xf32>, vector<128x128xf32>, vector<10000x128xf32> -> vector<10000x128xf32>
    %mul3A_36 = arith.mulf %dot_general3A_35, %dot_general3A_35 : vector<10000x128xf32>
    %reduce_sum3A_37 = arith.constant dense<0.000000e+00> : vector<10000xf32>
    %reduce_sum3A_38 = vector.multi_reduction <add>, %mul3A_36, %reduce_sum3A_37 [1] : vector<10000x128xf32> to vector<10000xf32>
    %broadcast_in_dim3A_39 = vector.shape_cast %reduce_sum3A_38 : vector<10000xf32> to vector<10000x1xf32>
    %sqrt3A_40 = math.sqrt %broadcast_in_dim3A_39 : vector<10000x1xf32>
    %max3A_41 = arith.constant 1.000000e-07 : f32
    %max3A_42 = vector.broadcast %max3A_41 : f32 to vector<10000x1xf32>
    %max3A_43 = arith.maximumf %sqrt3A_40, %max3A_42 : vector<10000x1xf32>
    %jit3A = arith.constant -0.99999988 : f32
    %jit3A_44 = arith.constant 0.99999988 : f32
    %max3A_45 = vector.broadcast %jit3A : f32 to vector<10000x1xf32>
    %max3A_46 = arith.maximumf %max3A_45, %max3A_34 : vector<10000x1xf32>
    %min3A = vector.broadcast %jit3A_44 : f32 to vector<10000x1xf32>
    %min3A_47 = arith.minimumf %min3A, %max3A_46 : vector<10000x1xf32>
    %add3A = arith.constant 1.000000e+00 : f32
    %add3A_48 = vector.broadcast %add3A : f32 to vector<10000x1xf32>
    %add3A_49 = arith.addf %add3A_48, %min3A_47 : vector<10000x1xf32>
    %sub3A = arith.constant 1.000000e+00 : f32
    %sub3A_50 = vector.broadcast %sub3A : f32 to vector<10000x1xf32>
    %sub3A_51 = arith.subf %sub3A_50, %min3A_47 : vector<10000x1xf32>
    %div3A_52 = arith.divf %add3A_49, %sub3A_51 : vector<10000x1xf32>
    %log3A = math.log %div3A_52 : vector<10000x1xf32>
    %mul3A_53 = arith.constant 5.000000e-01 : f32
    %mul3A_54 = vector.broadcast %mul3A_53 : f32 to vector<10000x1xf32>
    %mul3A_55 = arith.mulf %mul3A_54, %log3A : vector<10000x1xf32>
    %div3A_56 = arith.divf %max3A_43, %max3A_34 : vector<10000x1xf32>
    %mul3A_57 = arith.mulf %div3A_56, %mul3A_55 : vector<10000x1xf32>
    %tanh3A_58 = math.tanh %mul3A_57 : vector<10000x1xf32>
    %mul3A_59 = vector.broadcast %tanh3A_58 : vector<10000x1xf32> to vector<10000x128xf32>
    %mul3A_60 = arith.mulf %mul3A_59, %dot_general3A_35 : vector<10000x128xf32>
    %div3A_61 = vector.broadcast %max3A_43 : vector<10000x1xf32> to vector<10000x128xf32>
    %div3A_62 = arith.divf %mul3A_60, %div3A_61 : vector<10000x128xf32>
    %abs3A = math.absf %dot_general3A_35 : vector<10000x128xf32>
    %reduce_max3A = arith.constant dense<0xFF800000> : vector<10000xf32>
    %reduce_max3A_63 = vector.multi_reduction <maximumf>, %abs3A, %reduce_max3A [1] : vector<10000x128xf32> to vector<10000xf32>
    %broadcast_in_dim3A_64 = vector.shape_cast %reduce_max3A_63 : vector<10000xf32> to vector<10000x1xf32>
    %gt3A = arith.constant 0.000000e+00 : f32
    %gt3A_65 = vector.broadcast %gt3A : f32 to vector<10000x1xf32>
    %gt3A_66 = arith.cmpf ogt, %broadcast_in_dim3A_64, %gt3A_65 : vector<10000x1xf32>
    %jit3A_67 = arith.constant 0.000000e+00 : f32
    %broadcast_in_dim3A_68 = vector.shape_cast %gt3A_66 : vector<10000x1xi1> to vector<10000x1xi1>
    %broadcast_in_dim3A_69 = vector.broadcast %broadcast_in_dim3A_68 : vector<10000x1xi1> to vector<10000x128xi1>
    %broadcast_in_dim3A_70 = vector.broadcast %jit3A_67 : f32 to vector<10000x128xf32>
    %select_n3A = arith.select %broadcast_in_dim3A_69, %div3A_62, %broadcast_in_dim3A_70 : vector<10000x128xi1>, vector<10000x128xf32>
    %mul3A_71 = arith.mulf %select_n3A, %select_n3A : vector<10000x128xf32>
    %reduce_sum3A_72 = arith.constant dense<0.000000e+00> : vector<10000xf32>
    %reduce_sum3A_73 = vector.multi_reduction <add>, %mul3A_71, %reduce_sum3A_72 [1] : vector<10000x128xf32> to vector<10000xf32>
    %broadcast_in_dim3A_74 = vector.shape_cast %reduce_sum3A_73 : vector<10000xf32> to vector<10000x1xf32>
    %mul3A_75 = arith.mulf %div3A_23, %div3A_23 : vector<1x128xf32>
    %reduce_sum3A_76 = arith.constant dense<0.000000e+00> : vector<1xf32>
    %reduce_sum3A_77 = vector.multi_reduction <add>, %mul3A_75, %reduce_sum3A_76 [1] : vector<1x128xf32> to vector<1xf32>
    %broadcast_in_dim3A_78 = vector.shape_cast %reduce_sum3A_77 : vector<1xf32> to vector<1x1xf32>
    %mul3A_79 = vector.broadcast %div3A_23 : vector<1x128xf32> to vector<10000x128xf32>
    %mul3A_80 = arith.mulf %select_n3A, %mul3A_79 : vector<10000x128xf32>
    %reduce_sum3A_81 = arith.constant dense<0.000000e+00> : vector<10000xf32>
    %reduce_sum3A_82 = vector.multi_reduction <add>, %mul3A_80, %reduce_sum3A_81 [1] : vector<10000x128xf32> to vector<10000xf32>
    %broadcast_in_dim3A_83 = vector.shape_cast %reduce_sum3A_82 : vector<10000xf32> to vector<10000x1xf32>
    %mul3A_84 = arith.constant 2.000000e+00 : f32
    %mul3A_85 = vector.broadcast %mul3A_84 : f32 to vector<10000x1xf32>
    %mul3A_86 = arith.mulf %mul3A_85, %broadcast_in_dim3A_83 : vector<10000x1xf32>
    %add3A_87 = arith.constant 1.000000e+00 : f32
    %add3A_88 = vector.broadcast %add3A_87 : f32 to vector<10000x1xf32>
    %add3A_89 = arith.addf %add3A_88, %mul3A_86 : vector<10000x1xf32>
    %add3A_90 = vector.broadcast %broadcast_in_dim3A_78 : vector<1x1xf32> to vector<10000x1xf32>
    %add3A_91 = arith.addf %add3A_89, %add3A_90 : vector<10000x1xf32>
    %mul3A_92 = vector.broadcast %add3A_91 : vector<10000x1xf32> to vector<10000x128xf32>
    %mul3A_93 = arith.mulf %mul3A_92, %select_n3A : vector<10000x128xf32>
    %sub3A_94 = arith.constant 1.000000e+00 : f32
    %sub3A_95 = vector.broadcast %sub3A_94 : f32 to vector<10000x1xf32>
    %sub3A_96 = arith.subf %sub3A_95, %broadcast_in_dim3A_74 : vector<10000x1xf32>
    %mul3A_97 = vector.broadcast %sub3A_96 : vector<10000x1xf32> to vector<10000x128xf32>
    %mul3A_98 = vector.broadcast %div3A_23 : vector<1x128xf32> to vector<10000x128xf32>
    %mul3A_99 = arith.mulf %mul3A_97, %mul3A_98 : vector<10000x128xf32>
    %add3A_100 = arith.addf %mul3A_93, %mul3A_99 : vector<10000x128xf32>
    %mul3A_101 = arith.constant 2.000000e+00 : f32
    %mul3A_102 = vector.broadcast %mul3A_101 : f32 to vector<10000x1xf32>
    %mul3A_103 = arith.mulf %mul3A_102, %broadcast_in_dim3A_83 : vector<10000x1xf32>
    %add3A_104 = arith.constant 1.000000e+00 : f32
    %add3A_105 = vector.broadcast %add3A_104 : f32 to vector<10000x1xf32>
    %add3A_106 = arith.addf %add3A_105, %mul3A_103 : vector<10000x1xf32>
    %mul3A_107 = vector.broadcast %broadcast_in_dim3A_78 : vector<1x1xf32> to vector<10000x1xf32>
    %mul3A_108 = arith.mulf %broadcast_in_dim3A_74, %mul3A_107 : vector<10000x1xf32>
    %add3A_109 = arith.addf %add3A_106, %mul3A_108 : vector<10000x1xf32>
    %max3A_110 = arith.constant 1.000000e-15 : f32
    %max3A_111 = vector.broadcast %max3A_110 : f32 to vector<10000x1xf32>
    %max3A_112 = arith.maximumf %add3A_109, %max3A_111 : vector<10000x1xf32>
    %div3A_113 = vector.broadcast %max3A_112 : vector<10000x1xf32> to vector<10000x128xf32>
    %div3A_114 = arith.divf %add3A_100, %div3A_113 : vector<10000x128xf32>
    %swap3A = arith.constant 0 : index
    %swap3A_115 = arith.constant 0 : index
    %swap3A_116 = vector.load %arg3[%swap3A, %swap3A_115] : memref<10000x128xf32, #tpu.memory_space<vmem>>, vector<10000x128xf32>
    tpu.vector_store %arg3[%swap3A, %swap3A_115], %div3A_114 {strides = array<i32>} : memref<10000x128xf32, #tpu.memory_space<vmem>>, vector<10000x128xf32>,
    return
  }
}

module attributes {stable_mosaic.version = 14 : i64} {
  func.func @_combine_body(%arg0: memref<2x10000x128xf32, #tpu.memory_space<vmem>>, %arg1: memref<2x10000xf32, #tpu.memory_space<vmem>>, %arg2: memref<10000x128xf32, #tpu.memory_space<vmem>>) attributes {dimension_semantics = [], scalar_prefetch = 0 : i64, scratch_operands = 0 : i64, tpu.core_type = #tpu.core_type<tc>} {
    %get3A = arith.constant 0 : index
    %get3A_0 = arith.constant 0 : index
    %get3A_1 = arith.constant 0 : index
    %get3A_2 = vector.load %arg0[%get3A, %get3A_0, %get3A_1] : memref<2x10000x128xf32, #tpu.memory_space<vmem>>, vector<1x10000x128xf32>
    %get3A_3 = vector.shape_cast %get3A_2 : vector<1x10000x128xf32> to vector<10000x128xf32>
    %get3A_4 = arith.constant 1 : index
    %get3A_5 = arith.constant 0 : index
    %get3A_6 = arith.constant 0 : index
    %get3A_7 = vector.load %arg0[%get3A_4, %get3A_5, %get3A_6] : memref<2x10000x128xf32, #tpu.memory_space<vmem>>, vector<1x10000x128xf32>
    %get3A_8 = vector.shape_cast %get3A_7 : vector<1x10000x128xf32> to vector<10000x128xf32>
    %add3A = arith.addf %get3A_3, %get3A_8 : vector<10000x128xf32>
    %get3A_9 = arith.constant 0 : index
    %get3A_10 = arith.constant 0 : index
    %get3A_11 = vector.load %arg1[%get3A_9, %get3A_10] : memref<2x10000xf32, #tpu.memory_space<vmem>>, vector<1x10000xf32>
    %get3A_12 = vector.shape_cast %get3A_11 : vector<1x10000xf32> to vector<10000xf32>
    %get3A_13 = arith.constant 1 : index
    %get3A_14 = arith.constant 0 : index
    %get3A_15 = vector.load %arg1[%get3A_13, %get3A_14] : memref<2x10000xf32, #tpu.memory_space<vmem>>, vector<1x10000xf32>
    %get3A_16 = vector.shape_cast %get3A_15 : vector<1x10000xf32> to vector<10000xf32>
    %add3A_17 = arith.addf %get3A_12, %get3A_16 : vector<10000xf32>
    %max3A = arith.constant 1.000000e+00 : f32
    %max3A_18 = vector.broadcast %max3A : f32 to vector<10000xf32>
    %max3A_19 = arith.maximumf %add3A_17, %max3A_18 : vector<10000xf32>
    %broadcast_in_dim3A = vector.shape_cast %max3A_19 : vector<10000xf32> to vector<10000x1xf32>
    %div3A = vector.broadcast %broadcast_in_dim3A : vector<10000x1xf32> to vector<10000x128xf32>
    %div3A_20 = arith.divf %add3A, %div3A : vector<10000x128xf32>
    %mul3A = arith.mulf %div3A_20, %div3A_20 : vector<10000x128xf32>
    %reduce_sum3A = arith.constant dense<0.000000e+00> : vector<10000xf32>
    %reduce_sum3A_21 = vector.multi_reduction <add>, %mul3A, %reduce_sum3A [1] : vector<10000x128xf32> to vector<10000xf32>
    %broadcast_in_dim3A_22 = vector.shape_cast %reduce_sum3A_21 : vector<10000xf32> to vector<10000x1xf32>
    %sqrt3A = math.sqrt %broadcast_in_dim3A_22 : vector<10000x1xf32>
    %max3A_23 = arith.constant 1.000000e-07 : f32
    %max3A_24 = vector.broadcast %max3A_23 : f32 to vector<10000x1xf32>
    %max3A_25 = arith.maximumf %sqrt3A, %max3A_24 : vector<10000x1xf32>
    %gt3A = arith.constant 0.999989986 : f32
    %gt3A_26 = vector.broadcast %gt3A : f32 to vector<10000x1xf32>
    %gt3A_27 = arith.cmpf ogt, %max3A_25, %gt3A_26 : vector<10000x1xf32>
    %div3A_28 = vector.broadcast %max3A_25 : vector<10000x1xf32> to vector<10000x128xf32>
    %div3A_29 = arith.divf %div3A_20, %div3A_28 : vector<10000x128xf32>
    %mul3A_30 = arith.constant 0.999989986 : f32
    %mul3A_31 = vector.broadcast %mul3A_30 : f32 to vector<10000x128xf32>
    %mul3A_32 = arith.mulf %div3A_29, %mul3A_31 : vector<10000x128xf32>
    %broadcast_in_dim3A_33 = vector.shape_cast %gt3A_27 : vector<10000x1xi1> to vector<10000x1xi1>
    %broadcast_in_dim3A_34 = vector.broadcast %broadcast_in_dim3A_33 : vector<10000x1xi1> to vector<10000x128xi1>
    %select_n3A = arith.select %broadcast_in_dim3A_34, %mul3A_32, %div3A_20 : vector<10000x128xi1>, vector<10000x128xf32>
    %swap3A = arith.constant 0 : index
    %swap3A_35 = arith.constant 0 : index
    %swap3A_36 = vector.load %arg2[%swap3A, %swap3A_35] : memref<10000x128xf32, #tpu.memory_space<vmem>>, vector<10000x128xf32>
    tpu.vector_store %arg2[%swap3A, %swap3A_35], %select_n3A {strides = array<i32>} : memref<10000x128xf32, #tpu.memory_space<vmem>>, vector<10000x128xf32>,
    return
  }
}

</mosaic_0001>

<sc_bundles>
// kernel: kernel.5.cloned.1.call-start
scs
__scs_entry_jumppad:
0x0: {  	(pc) =	sbr.rel $0x88, $3  }
0x1: {  	(tag) =	ssettag $0x0;
	lr =	simm.s32 $0x1  }
0x2: {  	[smem:$0x3F9D] =	sst lr;
	_ =	strace $0xD0000000  }
0x3: {  	_ = 	snop  }
0x4: {  	_ = 	snop  }
0x5: {  	_ = 	snop  }
0x6: {  	_ = 	snop  }
0x7: {  	_ = 	snop  }
__scs_overlays_trampoline_lowered:
0x8: {  	[smem:$0x3FAC] =	sst s0  }
0x9: {  	[smem:$0x3FAD] =	sst s1  }
0xa: {  	[smem:$0x3FAE] =	sst s2  }
0xb: {  	[smem:$0x3FAF] =	sst s3  }
0xc: {  	[smem:$0x3FB0] =	sst s4  }
0xd: {  	[smem:$0x3FB1] =	sst s5  }
0xe: {  	[smem:$0x3FB2] =	sst s6  }
0xf: {  	[smem:$0x3FB3] =	sst s7  }
0x10: {  	[smem:$0x3FB4] =	sst s8  }
0x11: {  	[smem:$0x3FB5] =	sst s9;
	s0 =	simm.s32 @!p0 $0x0  }
0x12: {  	s1 =	sld [smem:$0x3F9B];
	s0 =	simm.s32 @p0 $0x1  }
0x13: {  	[smem:$0x3FB6] =	sst s0;
	s0 =	simm.s32 @!p1 $0x0  }
0x14: {  	s2 =	sld [smem:$0x3F9A];
	s0 =	simm.s32 @p1 $0x1  }
0x15: {  	[smem:$0x3FB7] =	sst s0;
	s0 =	simm.s32 @!p2 $0x0  }
0x16: {  	s3 =	sld [smem:$0x3FDB];
	s0 =	simm.s32 @p2 $0x1  }
0x17: {  	s4 =	simm.s32 $0x1BF5;
	[smem:$0x3FB9] =	sst s0  }
0x18: {  	s0 =	sld [smem:$0x3F9C];
	_ =	swait.ge [sflag:s4], $0x0  }
0x19: {  	s7 =	sld [smem:$0x3F9D]  }
0x1a: {  	s8 =	sadd.s32 $0xFFFFE003, lr  }
0x1b: {  	s9 =	sadd.s32 $0xFFFFFEF7, lr;
	s5 =	simm.s32 $0xFFFFFFFF;
	p2 =	slt.u32 s8, $0xFFFFF086  }
0x1c: {  	p1 =	slt.u32 s9, $0xF7A;
	s5 =	simm.s32 @!p2 $0x0  }
0x1d: {  	s5 =	simm.s32 @p1 $0x1;
	p0 =	seq.s32 s7, s2  }
0x1e: {  	s7 =	smul.u32 @!p0 $0xF7A, s2;
	p2 =	seq.s32 @!p0 s5, $0x0  }
0x1f: {  	s9 =	smul.u32 $0xF7A, s1;
	s8 =	simm.s32 @!p0 $0x1BF5;
	p2 =	por !p2, p0  }
0x20: {  	[sflag:s8] =	ssyncset.s32 @!p0 $0xFFFFF086;
	s6 =	sadd.s32 @!p0 s3, s7;
	s7 =	simm.s32 @!p0 $0x108  }
0x21: {  	s3 =	sadd.s32 s3, s9;
	s6 =	sadd.s32 @!p0 $0x88, s6;
	s7 =	simm.s32 @p2 $0x1082  }
0x22: {  	[simem:s7], [sflag:s8] =	dma.local @!p0 [hbm:s6], $0xF7A  }
0x23: {  	s9 =	sor.u32 $0xD0000000, s2;
	s6 =	simm.s32 $0x108;
	_ =	swait.ge @!p0 [sflag:s8], $0x0  }
0x24: {  	s3 =	sadd.s32 $0x88, s3;
	s6 =	simm.s32 @!p1 $0x1082;
	[sflag:s4] =	ssyncset.s32 $0xFFFFF086  }
0x25: {  	[simem:s6], [sflag:s4] =	dma.local [hbm:s3], $0xF7A  }
0x26: {  	[smem:$0x3F9D] =	sst s1;
	(tag) =	ssettag s2;
	_ =	strace s9  }
0x27: {  	s1 =	sld [smem:$0x3FAD]  }
0x28: {  	s2 =	sld [smem:$0x3FAE]  }
0x29: {  	s4 =	sld [smem:$0x3FB0]  }
0x2a: {  	p0 =	seq.s32 s5, $0x0;
	s5 =	sld [smem:$0x3FB1]  }
0x2b: {  	s6 =	sld [smem:$0x3FB2]  }
0x2c: {  	s7 =	sld [smem:$0x3FB3]  }
0x2d: {  	s3 =	simm.s32 $0x108;
	s8 =	sld [smem:$0x3FB4]  }
0x2e: {  	s3 =	simm.s32 @!p0 $0x1082;
	s9 =	sld [smem:$0x3FB5]  }
0x2f: {  	lr =	sadd.s32 s0, s3;
	s0 =	sld [smem:$0x3FAC]  }
0x30: {  	s3 =	sld [smem:$0x3FAF]  }
0x31: {  	[smem:$0x3FB8] =	sst s10  }
0x32: {  	s10 =	sld [smem:$0x3FB6];
	_ =	sdelay $0x3  }
0x33: {  	p0 =	seq.s32 s10, $0x1;
	s10 =	sld [smem:$0x3FB8];
	_ =	sdelay $0x3  }
0x34: {  	[smem:$0x3FB8] =	sst s10  }
0x35: {  	s10 =	sld [smem:$0x3FB7];
	_ =	sdelay $0x3  }
0x36: {  	p1 =	seq.s32 s10, $0x1;
	s10 =	sld [smem:$0x3FB8];
	_ =	sdelay $0x3  }
0x37: {  	[smem:$0x3FB8] =	sst s10  }
0x38: {  	s10 =	sld [smem:$0x3FB9]  }
0x39: {  	_ = 	snop;
	(pc) =	sbr.ind lr, $3  }
0x3a: {  	_ = 	snop  }
0x3b: {  	_ = 	snop  }
0x3c: {  	p2 =	seq.s32 s10, $0x1;
	s10 =	sld [smem:$0x3FB8]  }
0x3d: {  	_ =	shalt  }
0x3e: {  	_ =	shalt  }
0x3f: {  	_ =	shalt  }
0x40: {  	_ =	shalt  }
0x41: {  	_ =	shalt  }
0x42: {  	_ =	shalt  }
0x43: {  	_ =	shalt  }
0x44: {  	_ =	shalt  }
0x45: {  	_ =	shalt  }
0x46: {  	_ =	shalt  }
0x47: {  	_ =	shalt  }
0x48: {  	_ =	shalt  }
0x49: {  	_ =	shalt  }
0x4a: {  	_ =	shalt  }
0x4b: {  	_ =	shalt  }
0x4c: {  	_ =	shalt  }
0x4d: {  	_ =	shalt  }
0x4e: {  	_ =	shalt  }
0x4f: {  	_ =	shalt  }
0x50: {  	_ =	shalt  }
0x51: {  	_ =	shalt  }
0x52: {  	_ =	shalt  }
0x53: {  	_ =	shalt  }
0x54: {  	_ =	shalt  }
0x55: {  	_ =	shalt  }
0x56: {  	_ =	shalt  }
0x57: {  	_ =	shalt  }
0x58: {  	_ =	shalt  }
0x59: {  	_ =	shalt  }
0x5a: {  	_ =	shalt  }
0x5b: {  	_ =	shalt  }
0x5c: {  	_ =	shalt  }
0x5d: {  	_ =	shalt  }
0x5e: {  	_ =	shalt  }
0x5f: {  	_ =	shalt  }
0x60: {  	_ =	shalt  }
0x61: {  	_ =	shalt  }
0x62: {  	_ =	shalt  }
0x63: {  	_ =	shalt  }
0x64: {  	_ =	shalt  }
0x65: {  	_ =	shalt  }
0x66: {  	_ =	shalt  }
0x67: {  	_ =	shalt  }
0x68: {  	_ =	shalt  }
0x69: {  	_ =	shalt  }
0x6a: {  	_ =	shalt  }
0x6b: {  	_ =	shalt  }
0x6c: {  	_ =	shalt  }
0x6d: {  	_ =	shalt  }
0x6e: {  	_ =	shalt  }
0x6f: {  	_ =	shalt  }
0x70: {  	_ =	shalt  }
0x71: {  	_ =	shalt  }
0x72: {  	_ =	shalt  }
0x73: {  	_ =	shalt  }
0x74: {  	_ =	shalt  }
0x75: {  	_ =	shalt  }
0x76: {  	_ =	shalt  }
0x77: {  	_ =	shalt  }
0x78: {  	_ =	shalt  }
0x79: {  	_ =	shalt  }
0x7a: {  	_ =	shalt  }
0x7b: {  	_ =	shalt  }
0x7c: {  	_ =	shalt  }
0x7d: {  	_ =	shalt  }
0x7e: {  	_ =	shalt  }
0x7f: {  	_ =	shalt  }
0x80: {  	_ =	shalt  }
0x81: {  	_ =	shalt  }
0x82: {  	_ =	shalt  }
0x83: {  	_ =	shalt  }
0x84: {  	_ =	shalt  }
0x85: {  	_ =	shalt  }
0x86: {  	_ =	shalt  }
0x87: {  	_ =	shalt  }
.Lfunc_end0:
.L_simem_size_0:
called_computation_lowered:
.L_overlay_start_0:
0x88: {  	s2 =	sld [smem:$0x3FD9]  }
0x89: {  	s3 =	sld [smem:$0x3FFE];
	_ =	sdelay $0x1  }
0x8a: {  	s1 =	srdreg.scid  }
0x8b: {  	s0 =	sand.u32 $0x1, s1  }
0x8c: {  	s17 =	sshll.u32 s0, $0xA;
	s2 =	sadd.s32 s3, s2  }
0x8d: {  	s2 =	sadd.s32 s2, s17  }
0x8e: {  	[smem:$0x3FC4] =	sst s2  }
0x8f: {  	_ = 	snop  }
0x90: {  	s2 =	sld [smem:$0x3FD0];
	(tm) =	ssettm $0x1  }
0x91: {  	s18 =	sld [smem:$0x3FFB];
	_ =	sdelay $0x3  }
0x92: {  	_ =	strace s18  }
0x93: {  	s3 =	sld [smem:$0x3FFC];
	_ =	sdelay $0x3  }
0x94: {  	_ =	strace s3  }
0x95: {  	s3 =	sld [smem:$0x3FFD];
	_ =	sdelay $0x3  }
0x96: {  	_ =	strace s3  }
0x97: {  	_ =	strace $0x8FFFFFFF  }
0x98: {  	s19 =	sld [smem:$0x3FDB];
	_ =	sdelay $0x1  }
0x99: {  	s4 =	simm.s32 $_scs_section_size  }
0x9a: {  	s5 =	simm.s32 $_size__tile_overlayer_lowered;
	s6 =	simm.s32 $_tile_overlayer_lowered  }
0x9b: {  	s22 =	simm.s32 $0x1BFF;
	s21 =	sshll.u32 s6, $0x1;
	s3 =	sadd.s32 s4, s19  }
0x9c: {  	s7 =	simm.s32 $0x0;
	s20 =	sshll.u32 s5, $0x1;
	s5 =	sadd.s32 s21, s3  }
0x9d: {  	[timem:s7], [sflag:s22] =	dma.local [hbm:s5], s20  }
0x9e: {  	_ =	swait.ge [sflag:s22], s20  }
0x9f: {  	s4 =	ssub.s32 $0x0, s20;
	[sflag:s22] =	ssyncset.done $0x0  }
0xa0: {  	[sflag:s22] =	ssyncadd.s32 s4;
	_ =	sdelay $0x1  }
0xa1: {  	s23 =	simm.s32 $0x1B8B  }
0xa2: {  	_ =	swait.ge [sflag:s23], $0x1  }
0xa3: {  	[sflag:s23] =	ssyncset.done $0x0  }
0xa4: {  	s25 =	simm.s32 $0x1B8E;
	s24 =	sld [smem:$0x3FFE];
	[sflag:s23] =	ssyncadd.s32 $0xFFFFFFFF  }
0xa5: {  	s26 =	simm.s32 $execute0_lowered;
	[smem:$0x3FD2] =	sst s25  }
0xa6: {  	s5 =	sshll.u32 s26, $0x1;
	_ =	strace $0x80000046;
	[dreg:$0x1] =	wrdreg $0xFFFFFFFF  }
0xa7: {  	s28 =	simm.s32 $_size_execute0_lowered;
	s3 =	sadd.s32 s3, s5;
	[dreg:$0x0] =	wrdreg $0x0  }
0xa8: {  	s5 =	sshll.u32 s28, $0x1;
	[dreg:$0x2] =	wrdreg s3  }
0xa9: {  	[dreg:$0x3] =	wrdreg s5  }
0xaa: {  	[dreg:$0x4] =	wrdreg $0xC0  }
0xab: {  	_ =	task [dreg:s7], $0x5FFFF  }
0xac: {  	[dreg:$0x1] =	wrdreg $0xFFFFFFFF  }
0xad: {  	[dreg:$0x0] =	wrdreg $0x60  }
0xae: {  	[dreg:$0x2] =	wrdreg s2  }
0xaf: {  	[dreg:$0x3] =	wrdreg s24  }
0xb0: {  	[dreg:$0x4] =	wrdreg $0xAB000  }
0xb1: {  	[dreg:$0x5] =	wrdreg $0x1E3800  }
0xb2: {  	[dreg:$0x6] =	wrdreg $0x9  }
0xb3: {  	_ =	task.clear_ibuf [dreg:s7], $0x7FFFF;
	_ =	strace $0x90000046  }
0xb4: {  	s29 =	simm.s32 $0x9;
	_ =	strace $0x80000048  }
0xb5: {  	_ =	swait.ge [sflag:s29], $0x1  }
0xb6: {  	[sflag:s29] =	ssyncadd.s32 $0xFFFFFFFF  }
0xb7: {  	_ =	strace $0x90000048  }
0xb8: {  	_ =	sfence  }
0xb9: {  	s30 =	sld [smem:$0x0];
	_ =	sdelay $0x2  }
0xba: {  	s31 =	sshll.u32 s1, $0xD;
	s1 =	sshrl.u32 s1, $0x2  }
0xbb: {  	s3 =	sand.u32 $0x4000, s31;
	s1 =	sadd.s32 s1, s30  }
0xbc: {  	s0 =	sor.u32 s3, s0;
	s1 =	sshll.u32 s1, $0x11  }
0xbd: {  	s0 =	sor.u32 s1, s0  }
0xbe: {  	s0 =	sadd.s32 $0x8F2B, s0  }
0xbf: {  	[sflag:s0] =	ssyncadd.remote.s32 $0x1  }
0xc0: {  	_ =	sfence.sel $0xFFFF  }
0xc1: {  	[dreg:$0x0] =	wrdreg $0xFFFFFFFF;
	(pc) =	sbr.abs _section_cstart, $3  }
0xc2: {  	[dreg:$0x1] =	wrdreg $0xFFFFFFFF  }
0xc3: {  	_ =	task.clear_ibuf [dreg:s7], $0x2FFFF;
	_ =	strace $0x9FFFFFFF  }
0xc4: {  	(tm) =	ssettm $0x7FFFFFFF  }
0xc5: {  	_ =	shalt  }
tec
execute0_lowered:
.L_overlay_start_1:
0x0: {  	(tag) =	ssettag $0x1  }
0x1: {  	s1 =	rddreg [dreg:$0x0]  }
0x2: {  	s0 =	rddreg [dreg:$0x1]  }
0x3: {  	s2 =	srdreg.scid;
	s3 =	rddreg [dreg:$0x2]  }
0x4: {  	s22 =	stileid.u32;
	s4 =	rddreg [dreg:$0x3];
	s6 =	simm.s32 $0x0  }
0x5: {  	s28 =	simm.s32 $0x80;
	s29 =	simm.s32 $0x6800;
	s30 =	simm.s32 $0x1  }
0x6: {  	s31 =	simm.s32 $0xA800;
	s2 =	sand.u32 $0x1, s2;
	s5 =	sshll.u32 s22, $0x1  }
0x7: {  	[smem:$0x7FF] =	sst s6;
	s7 =	smul.u32 $0x4E000, s22;
	s18 =	sadd.s32 $0x15C00, s0  }
0x8: {  	s23 =	smul.u32 $0xA00, s22;
	s12 =	sadd.s32 $0x138000, s3;
	s5 =	sor.u32 s2, s5  }
0x9: {  	s16 =	sshll.u32 s2, $0x4;
	s9 =	ssub.s32 $0x2, s2;
	s2 =	smul.u32 $0x138800, s2  }
0xa: {  	p0 =	sne.s32 s22, $0xF;
	_ =	strace $0x80000047;
	s5 =	smul.u32 $0x2800, s5  }
0xb: {  	s6 =	sor.u32 s22, s16;
	s17 =	sshrl.u32 s7, $0x2;
	s10 =	sshrl.u32 s9, $0x1  }
0xc: {  	s7 =	simm.s32 $0x0;
	s8 =	smul.u32 $0x50, s6;
	s6 =	sadd.s32 s17, s3  }
0xd: {  	s17 =	smul.u32 $0x13800, s22;
	s22 =	simm.s32 $0x2800;
	s19 =	sadd.s32 $0x3C00, s6  }
0xe: {  	s5 =	sshrl.u32 s5, $0x3;
	s20 =	sadd.s32 $0x7800, s6;
	[dreg:$0x5] =	wrdreg s19  }
0xf: {  	s21 =	sadd.s32 $0xB400, s6;
	s24 =	sadd.s32 $0xF000, s6;
	[dreg:$0x6] =	wrdreg s20  }
0x10: {  	s11 =	sadd.s32 $0x12C00, s6;
	s5 =	sadd.s32 s5, s0;
	[dreg:$0x7] =	wrdreg s21  }
0x11: {  	s0 =	sadd.s32 s8, s0;
	s8 =	ssub.s32 s9, s10;
	[dreg:$0x8] =	wrdreg s24  }
0x12: {  	s9 =	sshrl.u32 s23, $0x2;
	s25 =	sadd.s32 s17, s2;
	s2 =	sshrl.u32 s2, $0x3  }
0x13: {  	s23 =	simm.s32 $0x3;
	s24 =	simm.s32 $0xA880;
	s13 =	sadd.s32 s9, s4  }
0x14: {  	s14 =	sadd.s32 $0x1200, s5;
	s15 =	sadd.s32 $0xB200, s5;
	s16 =	sadd.s32 $0x1480, s5  }
0x15: {  	s17 =	sadd.s32 $0xB480, s5;
	s26 =	sshrl.u32 s25, $0x3;
	s2 =	sadd.s32 s18, s2  }
0x16: {  	s20 =	sadd.s32 $0x15200, s0;
	s21 =	smax.u32 s8, $0x1;
	s25 =	simm.s32 $0x1400  }
0x17: {  	s5 =	simm.s32 $0x2700;
	s0 =	simm.s32 $0x2780;
	s18 =	sadd.s32 s18, s26  }
0x18: {  	v0 =	vimm.f32 $1.000000000e+00;
	v1 =	vimm.f32 $0.0e+00;
	s19 =	sadd.s32 $0x27000, s2;
	s26 =	simm.s32 $0x7D;
	s2 =	simm.s32 $0x2  }
.LBB2_1:
0x19: {  	[tilespmem:$0xA800] =	vst v0  }
0x1a: {  	[tilespmem:$0xA810] =	vst v0  }
0x1b: {  	[tilespmem:$0xA820] =	vst v0  }
0x1c: {  	[tilespmem:$0xA830] =	vst v0  }
0x1d: {  	[tilespmem:$0xA840] =	vst v0  }
0x1e: {  	[tilespmem:$0xA850] =	vst v0  }
0x1f: {  	[tilespmem:$0xA860] =	vst v0  }
0x20: {  	[tilespmem:$0xA870] =	vst v0;
	s8 =	simm.s32 $0x0;
	s9 =	simm.s32 $0x200  }
.LBB2_2:
0x21: {  	p1 =	sne.s32 s9, $0xEE00;
	[tilespmem:s8+$0x2870] =	vst v1  }
0x22: {  	[tilespmem:s8+$0x2800] =	vst v1  }
0x23: {  	[tilespmem:s8+$0x2810] =	vst v1  }
.Ltmp0:
0x24: {  	[tilespmem:s8+$0x2820] =	vst v1;
	(pc) =	sbr.rel @p1 .LBB2_2-.Ltmp0, $4  }
0x25: {  	[tilespmem:s8+$0x2830] =	vst v1  }
0x26: {  	[tilespmem:s8+$0x2840] =	vst v1  }
0x27: {  	[tilespmem:s8+$0x2850] =	vst v1  }
0x28: {  	[tilespmem:s8+$0x2860] =	vst v1;
	s8 =	sshra.s32 s9, $0x2;
	s9 =	sadd.s32 $0x200, s9  }
0x29: {  	[tilespmem:s8+$0x2870] =	vst v1  }
0x2a: {  	[tilespmem:s8+$0x2800] =	vst v1  }
0x2b: {  	[tilespmem:s8+$0x2810] =	vst v1  }
0x2c: {  	[tilespmem:s8+$0x2820] =	vst v1  }
0x2d: {  	[tilespmem:s8+$0x2830] =	vst v1  }
0x2e: {  	[tilespmem:s8+$0x2840] =	vst v1  }
0x2f: {  	[tilespmem:s8+$0x2850] =	vst v1  }
0x30: {  	[tilespmem:s8+$0x2860] =	vst v1  }
0x31: {  	[tilespmem:$0xA880] =	vst v1  }
0x32: {  	[tilespmem:$0xA890] =	vst v1  }
0x33: {  	[tilespmem:$0xA8A0] =	vst v1  }
0x34: {  	[tilespmem:$0xA8B0] =	vst v1  }
0x35: {  	[tilespmem:$0xA8C0] =	vst v1  }
0x36: {  	[tilespmem:$0xA8D0] =	vst v1  }
0x37: {  	[tilespmem:$0xA8E0] =	vst v1  }
0x38: {  	[tilespmem:$0xA8F0] =	vst v1  }
0x39: {  	[tilespmem:$0xA900] =	vst v1  }
0x3a: {  	[tilespmem:$0xA910] =	vst v1  }
0x3b: {  	[tilespmem:$0xA920] =	vst v1  }
0x3c: {  	[tilespmem:$0xA930] =	vst v1  }
0x3d: {  	[tilespmem:$0xA940] =	vst v1  }
0x3e: {  	[tilespmem:$0xA950] =	vst v1  }
0x3f: {  	[tilespmem:$0xA960] =	vst v1  }
0x40: {  	[tilespmem:$0xA970] =	vst v1  }
0x41: {  	[tilespmem:$0xA980] =	vst v1  }
0x42: {  	[tilespmem:$0xA990] =	vst v1  }
0x43: {  	[tilespmem:$0xA9A0] =	vst v1  }
0x44: {  	[tilespmem:$0xA9B0] =	vst v1  }
0x45: {  	[tilespmem:$0xA9C0] =	vst v1  }
0x46: {  	[tilespmem:$0xA9D0] =	vst v1  }
0x47: {  	[tilespmem:$0xA9E0] =	vst v1  }
0x48: {  	[tilespmem:$0xA9F0] =	vst v1  }
0x49: {  	[tilespmem:$0xAA00] =	vst v1  }
0x4a: {  	[tilespmem:$0xAA10] =	vst v1  }
0x4b: {  	[tilespmem:$0xAA20] =	vst v1  }
0x4c: {  	[tilespmem:$0xAA30] =	vst v1  }
0x4d: {  	[tilespmem:$0xAA40] =	vst v1  }
0x4e: {  	[tilespmem:$0xAA50] =	vst v1  }
0x4f: {  	[tilespmem:$0xAA60] =	vst v1  }
0x50: {  	[tilespmem:$0xAA70] =	vst v1  }
0x51: {  	[tilespmem:$0xAA80] =	vst v1  }
0x52: {  	[tilespmem:$0xAA90] =	vst v1  }
0x53: {  	[tilespmem:$0xAAA0] =	vst v1  }
0x54: {  	[tilespmem:$0xAAB0] =	vst v1  }
0x55: {  	[tilespmem:$0xAAC0] =	vst v1  }
0x56: {  	[tilespmem:$0xAAD0] =	vst v1  }
0x57: {  	[tilespmem:$0xAAE0] =	vst v1  }
0x58: {  	[tilespmem:$0xAAF0] =	vst v1  }
0x59: {  	[spmem:s6] =	stream.linear.scatter [tilespmem:s22], [sflag:$0x3], $0x3C00, $0x38;
	[tilespmem:$0x1E600] =	vst v63  }
0x5a: {  	_ =	swait.ge [sflag:s23], $0x3C00  }
0x5b: {  	[sflag:s23] =	ssyncset.done $0x0  }
0x5c: {  	s9 =	rddreg [dreg:$0x5];
	[sflag:s23] =	ssyncadd.s32 $0xFFFFC400  }
0x5d: {  	[spmem:s9] =	stream.linear.scatter [tilespmem:s22], [sflag:$0x3], $0x3C00, $0x38;
	[tilespmem:$0x1E600] =	vst v63  }
0x5e: {  	_ =	swait.ge [sflag:s23], $0x3C00  }
0x5f: {  	[sflag:s23] =	ssyncset.done $0x0  }
0x60: {  	s10 =	rddreg [dreg:$0x6];
	[sflag:s23] =	ssyncadd.s32 $0xFFFFC400  }
0x61: {  	[spmem:s10] =	stream.linear.scatter [tilespmem:s22], [sflag:$0x3], $0x3C00, $0x38;
	[tilespmem:$0x1E600] =	vst v63  }
0x62: {  	_ =	swait.ge [sflag:s23], $0x3C00  }
0x63: {  	[sflag:s23] =	ssyncset.done $0x0  }
0x64: {  	s9 =	rddreg [dreg:$0x7];
	[sflag:s23] =	ssyncadd.s32 $0xFFFFC400  }
0x65: {  	[spmem:s9] =	stream.linear.scatter [tilespmem:s22], [sflag:$0x3], $0x3C00, $0x38;
	[tilespmem:$0x1E600] =	vst v63  }
0x66: {  	_ =	swait.ge [sflag:s23], $0x3C00  }
0x67: {  	[sflag:s23] =	ssyncset.done $0x0  }
0x68: {  	s10 =	rddreg [dreg:$0x8];
	[sflag:s23] =	ssyncadd.s32 $0xFFFFC400  }
0x69: {  	[spmem:s10] =	stream.linear.scatter [tilespmem:s22], [sflag:$0x3], $0x3C00, $0x38;
	[tilespmem:$0x1E600] =	vst v63  }
0x6a: {  	_ =	swait.ge [sflag:s23], $0x3C00  }
0x6b: {  	[sflag:s23] =	ssyncset.done $0x0  }
0x6c: {  	[sflag:s23] =	ssyncadd.s32 $0xFFFFC400  }
0x6d: {  	[spmem:s11] =	stream.linear.scatter [tilespmem:s22], [sflag:$0x3], $0xC00, $0x38;
	[tilespmem:$0x1E600] =	vst v63  }
0x6e: {  	_ =	swait.ge [sflag:s23], $0xC00  }
0x6f: {  	[sflag:s23] =	ssyncset.done $0x0  }
0x70: {  	s8 =	simm.s32 @!p0 $0x2800;
	[sflag:s23] =	ssyncadd.s32 $0xFFFFF400  }
0x71: {  	[spmem:s12] =	stream.linear.scatter @!p0 [tilespmem:s8], [sflag:$0x3], $0x800, $0x38;
	[tilespmem:$0x1E600] =	vst v63  }
0x72: {  	s8 =	simm.s32 @!p0 $0x3  }
0x73: {  	_ =	swait.ge @!p0 [sflag:s8], $0x800  }
0x74: {  	[sflag:s8] =	ssyncset.done @!p0 $0x0  }
0x75: {  	[sflag:s8] =	ssyncadd.s32 @!p0 $0xFFFFF800  }
0x76: {  	[spmem:s13] =	stream.linear.scatter [tilespmem:s24], [sflag:$0x3], $0x280, $0x38;
	[tilespmem:$0x1E600] =	vst v63  }
0x77: {  	_ =	swait.ge [sflag:s23], $0x280  }
0x78: {  	[sflag:s23] =	ssyncset.done $0x0  }
0x79: {  	[sflag:s23] =	ssyncadd.s32 $0xFFFFFD80  }
0x7a: {  	s9 =	simm.s32 $0x0;
	[bflag:$0x0] =	sbarrier.arrive $0xFFFF  }
0x7b: {  	[tilespmem:s9], [sflag:$0x3] =	stream.linear.gather [hbm4b:s14+s9], $0x1400, $0x38;
	[tilespmem:$0x1E600] =	vst v63  }
0x7c: {  	_ =	swait.ge [sflag:s23], $0x1400  }
0x7d: {  	[sflag:s23] =	ssyncset.done $0x0  }
0x7e: {  	[sflag:s23] =	ssyncadd.s32 $0xFFFFEC00  }
0x7f: {  	[tilespmem:s25], [sflag:$0x3] =	stream.linear.gather [hbm4b:s15+s9], $0x1400, $0x38;
	[tilespmem:$0x1E600] =	vst v63  }
0x80: {  	_ =	swait.ge [sflag:s23], $0x1400  }
0x81: {  	[sflag:s23] =	ssyncset.done $0x0  }
0x82: {  	[sflag:s23] =	ssyncadd.s32 $0xFFFFEC00  }
0x83: {  	[tilespmem:s22], [sflag:$0x1] =	stream.indirect.gather [hbm4b:s1+s26], $0x80, s9, s26, $0xb8;
	[tilespmem:$0x1E600] =	vst v63  }
0x84: {  	_ = 	snop  }
0x85: {  	[tilespmem:s29], [sflag:$0x2] =	stream.indirect.gather [hbm4b:s1+s26], $0x80, s28, s26, $0xb8;
	[tilespmem:$0x1E600] =	vst v63  }
0x86: {  	_ =	swait.ge [sflag:s30], $0x3E80  }
0x87: {  	[sflag:s30] =	ssyncset.done $0x0  }
0x88: {  	s10 =	simm.s32 $0x1400;
	[sflag:s30] =	ssyncadd.s32 $0xFFFFC180  }
0x89: {  	[spmem:s3] =	stream.indirect.scatter.add.f32 [tilespmem:s22], [sflag:$0x3], $0x80, s10, s26, $0xb8;
	[tilespmem:$0x1E600] =	vst v63  }
0x8a: {  	_ =	swait.ge [sflag:s23], $0x3E80  }
0x8b: {  	[sflag:s23] =	ssyncset.done $0x0  }
0x8c: {  	[sflag:s23] =	ssyncadd.s32 $0xFFFFC180  }
0x8d: {  	[spmem:s4] =	stream.indirect.scatter.add.f32 [tilespmem:s31], [sflag:$0x3], $0x1, s10, s26, $0xb8;
	[tilespmem:$0x1E600] =	vst v63  }
0x8e: {  	_ =	swait.ge [sflag:s23], $0x7D  }
0x8f: {  	[sflag:s23] =	ssyncset.done $0x0  }
0x90: {  	s9 =	simm.s32 $0x100;
	[sflag:s23] =	ssyncadd.s32 $0xFFFFFF83  }
0x91: {  	[tilespmem:s22], [sflag:$0x1] =	stream.indirect.gather [hbm4b:s1+s26], $0x80, s9, s26, $0xb8;
	[tilespmem:$0x1E600] =	vst v63  }
0x92: {  	_ =	swait.ge [sflag:s2], $0x3E80  }
0x93: {  	[sflag:s2] =	ssyncset.done $0x0  }
0x94: {  	s10 =	simm.s32 $0x1480;
	[sflag:s2] =	ssyncadd.s32 $0xFFFFC180  }
0x95: {  	[spmem:s3] =	stream.indirect.scatter.add.f32 [tilespmem:s29], [sflag:$0x3], $0x80, s10, s26, $0xb8;
	[tilespmem:$0x1E600] =	vst v63  }
0x96: {  	_ =	swait.ge [sflag:s23], $0x3E80  }
0x97: {  	[sflag:s23] =	ssyncset.done $0x0  }
0x98: {  	[sflag:s23] =	ssyncadd.s32 $0xFFFFC180  }
0x99: {  	[spmem:s4] =	stream.indirect.scatter.add.f32 [tilespmem:s31], [sflag:$0x3], $0x1, s10, s26, $0xb8;
	[tilespmem:$0x1E600] =	vst v63  }
0x9a: {  	_ =	swait.ge [sflag:s23], $0x7D  }
0x9b: {  	[sflag:s23] =	ssyncset.done $0x0  }
0x9c: {  	s8 =	simm.s32 $0x400;
	s9 =	simm.s32 $0x180;
	[sflag:s23] =	ssyncadd.s32 $0xFFFFFF83  }
.LBB2_4:
0x9d: {  	[tilespmem:s29], [sflag:$0x2] =	stream.indirect.gather [hbm4b:s1+s26], $0x80, s9, s26, $0xb8;
	[tilespmem:$0x1E600] =	vst v63  }
0x9e: {  	s9 =	smov.u32 s8  }
0x9f: {  	p1 =	sne.s32 s8, $0x4800;
	s8 =	sadd.s32 $0x400, s8;
	_ =	swait.ge [sflag:s30], $0x3E80  }
0xa0: {  	s9 =	sshra.s32 s9, $0x2;
	[sflag:s30] =	ssyncset.done $0x0  }
0xa1: {  	s10 =	sadd.s32 $0x1400, s9;
	[sflag:s30] =	ssyncadd.s32 $0xFFFFC180  }
0xa2: {  	[spmem:s3] =	stream.indirect.scatter.add.f32 [tilespmem:s22], [sflag:$0x3], $0x80, s10, s26, $0xb8;
	[tilespmem:$0x1E600] =	vst v63  }
0xa3: {  	_ =	swait.ge [sflag:s23], $0x3E80  }
0xa4: {  	[sflag:s23] =	ssyncset.done $0x0  }
0xa5: {  	[sflag:s23] =	ssyncadd.s32 $0xFFFFC180  }
0xa6: {  	[spmem:s4] =	stream.indirect.scatter.add.f32 [tilespmem:s31], [sflag:$0x3], $0x1, s10, s26, $0xb8;
	[tilespmem:$0x1E600] =	vst v63  }
0xa7: {  	_ =	swait.ge [sflag:s23], $0x7D  }
0xa8: {  	[sflag:s23] =	ssyncset.done $0x0  }
0xa9: {  	s10 =	sadd.s32 $0x100, s9;
	[sflag:s23] =	ssyncadd.s32 $0xFFFFFF83  }
0xaa: {  	[tilespmem:s22], [sflag:$0x1] =	stream.indirect.gather [hbm4b:s1+s26], $0x80, s10, s26, $0xb8;
	[tilespmem:$0x1E600] =	vst v63  }
0xab: {  	_ =	swait.ge [sflag:s2], $0x3E80  }
0xac: {  	[sflag:s2] =	ssyncset.done $0x0  }
0xad: {  	s10 =	sadd.s32 $0x1480, s9;
	[sflag:s2] =	ssyncadd.s32 $0xFFFFC180  }
0xae: {  	[spmem:s3] =	stream.indirect.scatter.add.f32 [tilespmem:s29], [sflag:$0x3], $0x80, s10, s26, $0xb8;
	[tilespmem:$0x1E600] =	vst v63  }
0xaf: {  	_ =	swait.ge [sflag:s23], $0x3E80  }
0xb0: {  	[sflag:s23] =	ssyncset.done $0x0  }
.Ltmp1:
0xb1: {  	[sflag:s23] =	ssyncadd.s32 $0xFFFFC180;
	(pc) =	sbr.rel @p1 .LBB2_4-.Ltmp1, $4  }
0xb2: {  	[spmem:s4] =	stream.indirect.scatter.add.f32 [tilespmem:s31], [sflag:$0x3], $0x1, s10, s26, $0xb8;
	[tilespmem:$0x1E600] =	vst v63  }
0xb3: {  	_ =	swait.ge [sflag:s23], $0x7D  }
0xb4: {  	[sflag:s23] =	ssyncset.done $0x0  }
0xb5: {  	s9 =	sadd.s32 $0x180, s9;
	[sflag:s23] =	ssyncadd.s32 $0xFFFFFF83  }
0xb6: {  	[tilespmem:s29], [sflag:$0x2] =	stream.indirect.gather [hbm4b:s1+s26], $0x80, s9, s26, $0xb8;
	[tilespmem:$0x1E600] =	vst v63  }
0xb7: {  	_ =	swait.ge [sflag:s30], $0x3E80  }
0xb8: {  	[sflag:s30] =	ssyncset.done $0x0  }
0xb9: {  	[sflag:s30] =	ssyncadd.s32 $0xFFFFC180  }
0xba: {  	[spmem:s3] =	stream.indirect.scatter.add.f32 [tilespmem:s22], [sflag:$0x3], $0x80, s5, s26, $0xb8;
	[tilespmem:$0x1E600] =	vst v63  }
0xbb: {  	_ =	swait.ge [sflag:s23], $0x3E80  }
0xbc: {  	[sflag:s23] =	ssyncset.done $0x0  }
0xbd: {  	[sflag:s23] =	ssyncadd.s32 $0xFFFFC180  }
0xbe: {  	[spmem:s4] =	stream.indirect.scatter.add.f32 [tilespmem:s31], [sflag:$0x3], $0x1, s5, s26, $0xb8;
	[tilespmem:$0x1E600] =	vst v63  }
0xbf: {  	_ =	swait.ge [sflag:s23], $0x7D  }
0xc0: {  	[sflag:s23] =	ssyncset.done $0x0  }
0xc1: {  	[sflag:s23] =	ssyncadd.s32 $0xFFFFFF83  }
0xc2: {  	_ =	swait.ge [sflag:s2], $0x3E80  }
0xc3: {  	[sflag:s2] =	ssyncset.done $0x0  }
0xc4: {  	[sflag:s2] =	ssyncadd.s32 $0xFFFFC180  }
0xc5: {  	[spmem:s3] =	stream.indirect.scatter.add.f32 [tilespmem:s29], [sflag:$0x3], $0x80, s0, s26, $0xb8;
	[tilespmem:$0x1E600] =	vst v63  }
0xc6: {  	_ =	swait.ge [sflag:s23], $0x3E80  }
0xc7: {  	[sflag:s23] =	ssyncset.done $0x0  }
0xc8: {  	[sflag:s23] =	ssyncadd.s32 $0xFFFFC180  }
0xc9: {  	[spmem:s4] =	stream.indirect.scatter.add.f32 [tilespmem:s31], [sflag:$0x3], $0x1, s0, s26, $0xb8;
	[tilespmem:$0x1E600] =	vst v63  }
0xca: {  	_ =	swait.ge [sflag:s23], $0x7D  }
0xcb: {  	[sflag:s23] =	ssyncset.done $0x0  }
0xcc: {  	s8 =	simm.s32 $0x0;
	[sflag:s23] =	ssyncadd.s32 $0xFFFFFF83  }
0xcd: {  	[tilespmem:s8], [sflag:$0x3] =	stream.linear.gather [hbm4b:s16+s8], $0x1400, $0x38;
	[tilespmem:$0x1E600] =	vst v63  }
0xce: {  	_ =	swait.ge [sflag:s23], $0x1400  }
0xcf: {  	[sflag:s23] =	ssyncset.done $0x0  }
0xd0: {  	[sflag:s23] =	ssyncadd.s32 $0xFFFFEC00  }
0xd1: {  	[tilespmem:s25], [sflag:$0x3] =	stream.linear.gather [hbm4b:s17+s8], $0x1400, $0x38;
	[tilespmem:$0x1E600] =	vst v63  }
0xd2: {  	_ =	swait.ge [sflag:s23], $0x1400  }
0xd3: {  	[sflag:s23] =	ssyncset.done $0x0  }
0xd4: {  	[sflag:s23] =	ssyncadd.s32 $0xFFFFEC00  }
0xd5: {  	[tilespmem:s22], [sflag:$0x1] =	stream.indirect.gather [hbm4b:s1+s26], $0x80, s8, s26, $0xb8;
	[tilespmem:$0x1E600] =	vst v63  }
0xd6: {  	_ = 	snop  }
0xd7: {  	[tilespmem:s29], [sflag:$0x2] =	stream.indirect.gather [hbm4b:s1+s26], $0x80, s28, s26, $0xb8;
	[tilespmem:$0x1E600] =	vst v63  }
0xd8: {  	_ =	swait.ge [sflag:s30], $0x3E80  }
0xd9: {  	[sflag:s30] =	ssyncset.done $0x0  }
0xda: {  	s10 =	simm.s32 $0x1400;
	[sflag:s30] =	ssyncadd.s32 $0xFFFFC180  }
0xdb: {  	[spmem:s3] =	stream.indirect.scatter.add.f32 [tilespmem:s22], [sflag:$0x3], $0x80, s10, s26, $0xb8;
	[tilespmem:$0x1E600] =	vst v63  }
0xdc: {  	_ =	swait.ge [sflag:s23], $0x3E80  }
0xdd: {  	[sflag:s23] =	ssyncset.done $0x0  }
0xde: {  	[sflag:s23] =	ssyncadd.s32 $0xFFFFC180  }
0xdf: {  	[spmem:s4] =	stream.indirect.scatter.add.f32 [tilespmem:s31], [sflag:$0x3], $0x1, s10, s26, $0xb8;
	[tilespmem:$0x1E600] =	vst v63  }
0xe0: {  	_ =	swait.ge [sflag:s23], $0x7D  }
0xe1: {  	[sflag:s23] =	ssyncset.done $0x0  }
0xe2: {  	s9 =	simm.s32 $0x100;
	[sflag:s23] =	ssyncadd.s32 $0xFFFFFF83  }
0xe3: {  	[tilespmem:s22], [sflag:$0x1] =	stream.indirect.gather [hbm4b:s1+s26], $0x80, s9, s26, $0xb8;
	[tilespmem:$0x1E600] =	vst v63  }
0xe4: {  	_ =	swait.ge [sflag:s2], $0x3E80  }
0xe5: {  	[sflag:s2] =	ssyncset.done $0x0  }
0xe6: {  	s10 =	simm.s32 $0x1480;
	[sflag:s2] =	ssyncadd.s32 $0xFFFFC180  }
0xe7: {  	[spmem:s3] =	stream.indirect.scatter.add.f32 [tilespmem:s29], [sflag:$0x3], $0x80, s10, s26, $0xb8;
	[tilespmem:$0x1E600] =	vst v63  }
0xe8: {  	_ =	swait.ge [sflag:s23], $0x3E80  }
0xe9: {  	[sflag:s23] =	ssyncset.done $0x0  }
0xea: {  	[sflag:s23] =	ssyncadd.s32 $0xFFFFC180  }
0xeb: {  	[spmem:s4] =	stream.indirect.scatter.add.f32 [tilespmem:s31], [sflag:$0x3], $0x1, s10, s26, $0xb8;
	[tilespmem:$0x1E600] =	vst v63  }
0xec: {  	_ =	swait.ge [sflag:s23], $0x7D  }
0xed: {  	[sflag:s23] =	ssyncset.done $0x0  }
0xee: {  	s8 =	simm.s32 $0x400;
	s9 =	simm.s32 $0x180;
	[sflag:s23] =	ssyncadd.s32 $0xFFFFFF83  }
.LBB2_6:
0xef: {  	[tilespmem:s29], [sflag:$0x2] =	stream.indirect.gather [hbm4b:s1+s26], $0x80, s9, s26, $0xb8;
	[tilespmem:$0x1E600] =	vst v63  }
0xf0: {  	s9 =	smov.u32 s8  }
0xf1: {  	p1 =	sne.s32 s8, $0x4800;
	s8 =	sadd.s32 $0x400, s8;
	_ =	swait.ge [sflag:s30], $0x3E80  }
0xf2: {  	s9 =	sshra.s32 s9, $0x2;
	[sflag:s30] =	ssyncset.done $0x0  }
0xf3: {  	s10 =	sadd.s32 $0x1400, s9;
	[sflag:s30] =	ssyncadd.s32 $0xFFFFC180  }
0xf4: {  	[spmem:s3] =	stream.indirect.scatter.add.f32 [tilespmem:s22], [sflag:$0x3], $0x80, s10, s26, $0xb8;
	[tilespmem:$0x1E600] =	vst v63  }
0xf5: {  	_ =	swait.ge [sflag:s23], $0x3E80  }
0xf6: {  	[sflag:s23] =	ssyncset.done $0x0  }
0xf7: {  	[sflag:s23] =	ssyncadd.s32 $0xFFFFC180  }
0xf8: {  	[spmem:s4] =	stream.indirect.scatter.add.f32 [tilespmem:s31], [sflag:$0x3], $0x1, s10, s26, $0xb8;
	[tilespmem:$0x1E600] =	vst v63  }
0xf9: {  	_ =	swait.ge [sflag:s23], $0x7D  }
0xfa: {  	[sflag:s23] =	ssyncset.done $0x0  }
0xfb: {  	s10 =	sadd.s32 $0x100, s9;
	[sflag:s23] =	ssyncadd.s32 $0xFFFFFF83  }
0xfc: {  	[tilespmem:s22], [sflag:$0x1] =	stream.indirect.gather [hbm4b:s1+s26], $0x80, s10, s26, $0xb8;
	[tilespmem:$0x1E600] =	vst v63  }
0xfd: {  	_ =	swait.ge [sflag:s2], $0x3E80  }
0xfe: {  	[sflag:s2] =	ssyncset.done $0x0  }
0xff: {  	s10 =	sadd.s32 $0x1480, s9;
	[sflag:s2] =	ssyncadd.s32 $0xFFFFC180  }
0x100: {  	[spmem:s3] =	stream.indirect.scatter.add.f32 [tilespmem:s29], [sflag:$0x3], $0x80, s10, s26, $0xb8;
	[tilespmem:$0x1E600] =	vst v63  }
0x101: {  	_ =	swait.ge [sflag:s23], $0x3E80  }
0x102: {  	[sflag:s23] =	ssyncset.done $0x0  }
.Ltmp2:
0x103: {  	[sflag:s23] =	ssyncadd.s32 $0xFFFFC180;
	(pc) =	sbr.rel @p1 .LBB2_6-.Ltmp2, $4  }
0x104: {  	[spmem:s4] =	stream.indirect.scatter.add.f32 [tilespmem:s31], [sflag:$0x3], $0x1, s10, s26, $0xb8;
	[tilespmem:$0x1E600] =	vst v63  }
0x105: {  	_ =	swait.ge [sflag:s23], $0x7D  }
0x106: {  	[sflag:s23] =	ssyncset.done $0x0  }
0x107: {  	s9 =	sadd.s32 $0x180, s9;
	[sflag:s23] =	ssyncadd.s32 $0xFFFFFF83  }
0x108: {  	[tilespmem:s29], [sflag:$0x2] =	stream.indirect.gather [hbm4b:s1+s26], $0x80, s9, s26, $0xb8;
	[tilespmem:$0x1E600] =	vst v63  }
0x109: {  	_ =	swait.ge [sflag:s30], $0x3E80  }
0x10a: {  	[sflag:s30] =	ssyncset.done $0x0  }
0x10b: {  	[sflag:s30] =	ssyncadd.s32 $0xFFFFC180  }
0x10c: {  	[spmem:s3] =	stream.indirect.scatter.add.f32 [tilespmem:s22], [sflag:$0x3], $0x80, s5, s26, $0xb8;
	[tilespmem:$0x1E600] =	vst v63  }
0x10d: {  	_ =	swait.ge [sflag:s23], $0x3E80  }
0x10e: {  	[sflag:s23] =	ssyncset.done $0x0  }
0x10f: {  	[sflag:s23] =	ssyncadd.s32 $0xFFFFC180  }
0x110: {  	[spmem:s4] =	stream.indirect.scatter.add.f32 [tilespmem:s31], [sflag:$0x3], $0x1, s5, s26, $0xb8;
	[tilespmem:$0x1E600] =	vst v63  }
0x111: {  	_ =	swait.ge [sflag:s23], $0x7D  }
0x112: {  	[sflag:s23] =	ssyncset.done $0x0  }
0x113: {  	[sflag:s23] =	ssyncadd.s32 $0xFFFFFF83  }
0x114: {  	_ =	swait.ge [sflag:s2], $0x3E80  }
0x115: {  	[sflag:s2] =	ssyncset.done $0x0  }
0x116: {  	[sflag:s2] =	ssyncadd.s32 $0xFFFFC180  }
0x117: {  	[spmem:s3] =	stream.indirect.scatter.add.f32 [tilespmem:s29], [sflag:$0x3], $0x80, s0, s26, $0xb8;
	[tilespmem:$0x1E600] =	vst v63  }
0x118: {  	_ =	swait.ge [sflag:s23], $0x3E80  }
0x119: {  	[sflag:s23] =	ssyncset.done $0x0  }
0x11a: {  	[sflag:s23] =	ssyncadd.s32 $0xFFFFC180  }
0x11b: {  	[spmem:s4] =	stream.indirect.scatter.add.f32 [tilespmem:s31], [sflag:$0x3], $0x1, s0, s26, $0xb8;
	[tilespmem:$0x1E600] =	vst v63  }
0x11c: {  	_ =	swait.ge [sflag:s23], $0x7D  }
0x11d: {  	s8 =	stileid.u32;
	[sflag:s23] =	ssyncset.done $0x0  }
0x11e: {  	s8 =	sshll.u32 s8, $0x6;
	[sflag:s23] =	ssyncadd.s32 $0xFFFFFF83  }
0x11f: {  	s10 =	sshrl.u32 s6, $0x3;
	s8 =	sor.u32 $0x1C03, s8;
	[bflag:$0x0] =	sbarrier.arrive $0xFFFF  }
0x120: {  	[hbm:s18], [sflag:s8] =	dma.local [spmem:s10], $0x2700  }
0x121: {  	_ =	swait.ge [sflag:s23], $0x2700  }
0x122: {  	[sflag:s23] =	ssyncset.done $0x0  }
0x123: {  	s9 =	sshrl.u32 @!p0 s12, $0x3;
	[sflag:s23] =	ssyncadd.s32 $0xFFFFD900  }
0x124: {  	[hbm:s19], [sflag:s8] =	dma.local @!p0 [spmem:s9], $0x100  }
0x125: {  	s8 =	simm.s32 @!p0 $0x3  }
0x126: {  	_ =	swait.ge @!p0 [sflag:s8], $0x100  }
0x127: {  	[sflag:s8] =	ssyncset.done @!p0 $0x0  }
0x128: {  	[sflag:s8] =	ssyncadd.s32 @!p0 $0xFFFFFF00  }
0x129: {  	[tilespmem:s24], [sflag:$0x3] =	stream.linear.gather [spmem:s13], $0x280, $0x38;
	[tilespmem:$0x1E600] =	vst v63  }
0x12a: {  	s7 =	sadd.s32 $0x1, s7;
	_ =	swait.ge [sflag:s23], $0x280  }
0x12b: {  	p1 =	sne.s32 s7, s21;
	[sflag:s23] =	ssyncset.done $0x0  }
.Ltmp3:
0x12c: {  	s10 =	simm.s32 $0x0;
	[sflag:s23] =	ssyncadd.s32 $0xFFFFFD80;
	(pc) =	sbr.rel @p1 .LBB2_1-.Ltmp3, $4  }
0x12d: {  	[hbm4b:s20+s10] =	stream.linear.scatter [tilespmem:s24], [sflag:$0x3], $0x280, $0x38;
	[tilespmem:$0x1E600] =	vst v63  }
0x12e: {  	_ =	swait.ge [sflag:s23], $0x280  }
0x12f: {  	[sflag:s23] =	ssyncset.done $0x0  }
0x130: {  	[sflag:s23] =	ssyncadd.s32 $0xFFFFFD80  }
0x131: {  	_ =	sfence.sel $0x180000  }
0x132: {  	[bflag:$0x0] =	sbarrier.arrive $0xFFFF  }
0x133: {  	_ =	strace $0x90000047  }
0x134: {  	s0 =	stileid.u32;
	[bflag:$0x2] =	sbarrier.arrive $0xFFFF  }
0x135: {  	p0 =	sne.s32 s0, $0x0;
	s0 =	rddreg [dreg:$0x4]  }
0x136: {  	s0 =	sadd.s32 @!p0 $0x100000, s0  }
0x137: {  	[sflag:s0] =	ssyncadd.tile.s32 @!p0 $0x1;
	_ =	shalt  }
.Lfunc_end2:
_tile_overlayer_lowered:
.L_overlay_start_2:
0x138: {  	(tag) =	ssettag $0x2  }
0x139: {  	s0 =	rddreg [dreg:$0x0];
	s2 =	stileid.u32  }
0x13a: {  	s1 =	rddreg [dreg:$0x1];
	p0 =	sne.s32 s2, $0x0  }
0x13b: {  	s3 =	rddreg [dreg:$0x2];
	[bflag:$0x3] =	sbarrier.arrive $0xFFFF;
	s2 =	simm.s32 @!p0 $0x1C03  }
0x13c: {  	[timem:s3], [sflag:s2] =	dma.local @!p0 [hbm:s0], s1  }
0x13d: {  	s0 =	simm.s32 @!p0 $0x3  }
0x13e: {  	_ =	swait.ge @!p0 [sflag:s0], s1  }
0x13f: {  	s1 =	ssub.s32 @!p0 $0x0, s1;
	[sflag:s0] =	ssyncset.done @!p0 $0x0  }
0x140: {  	[sflag:s0] =	ssyncadd.s32 @!p0 s1  }
0x141: {  	[bflag:$0x3] =	sbarrier.arrive $0xFFFF  }
0x142: {  	_ =	shalt  }

</sc_bundles>
